<compile_context>
chip_gen: v7x
topology: tpu7x:2x2x1
jax: 0.10.2.dev20260603
libtpu: 0.0.44.dev20260713+nightly
codegen_flags: <defaults>
</compile_context>

<pallas_src>
import functools

import jax
import jax.numpy as jnp
from jax import lax
from jax.experimental import pallas as pl
from jax.experimental.pallas import tpu as pltpu
from jax.experimental.pallas import tpu_sc as plsc

_dot = functools.partial(
    jnp.dot, preferred_element_type=jnp.float32,
    precision=jax.lax.Precision.HIGHEST)

N = 10000
E = 320000
DN = 128
DE = 16
H = 256
G = 128
NG = 64

N_PAD = 10240
NB = 2048
EB = 8000
EC = 6400
NCH = E // EC
GPW = 2


def _sc_hist_body(row_hbm, col_hbm, batch_hbm, out_hbm,
                  table_v, batch_v, rb0, cb0, rb1, cb1, sem0, sem1):
    nc = 2
    wid = lax.axis_index("s") * nc + lax.axis_index("c")

    z = jnp.zeros((16,), jnp.float32)

    def _zero(i, _):
        table_v[0, pl.ds(i * 16, 16)] = z
        table_v[1, pl.ds(i * 16, 16)] = z
        return 0

    lax.fori_loop(0, N_PAD // 16, _zero, 0, unroll=8)

    pltpu.sync_copy(batch_hbm, batch_v)

    ones = jnp.ones((16,), jnp.float32)

    def _start(c, rb, cb, sem):
        pltpu.async_copy(row_hbm.at[pl.ds(c * EC, EC)], rb, sem)
        pltpu.async_copy(col_hbm.at[pl.ds(c * EC, EC)], cb, sem)

    def _wait(c, rb, cb, sem):
        pltpu.make_async_copy(row_hbm.at[pl.ds(c * EC, EC)], rb, sem).wait()
        pltpu.make_async_copy(col_hbm.at[pl.ds(c * EC, EC)], cb, sem).wait()

    def _process(rb, cb):
        @plsc.parallel_loop(0, EC // 16, unroll=8)
        def _step(j):
            colv = cb[pl.ds(j * 16, 16)]
            rowv = rb[pl.ds(j * 16, 16)]
            gev = plsc.load_gather(batch_v, [colv])
            m = lax.shift_right_logical(gev, 1) == wid
            sub = lax.bitwise_and(gev, 1)
            plsc.addupdate_scatter(table_v, [sub, rowv], ones, mask=m)

    _start(0, rb0, cb0, sem0)

    def _chunk_pair(c2, _):
        c = c2 * 2
        _start(c + 1, rb1, cb1, sem1)
        _wait(c, rb0, cb0, sem0)
        _process(rb0, cb0)

        @pl.when(c + 2 < NCH)
        def _():
            _start(c + 2, rb0, cb0, sem0)

        _wait(c + 1, rb1, cb1, sem1)
        _process(rb1, cb1)
        return 0

    lax.fori_loop(0, NCH // 2, _chunk_pair, 0)

    pltpu.sync_copy(table_v, out_hbm.at[pl.ds(wid * GPW, GPW)])


def _sc_hist(row, col, batch):
    mesh = plsc.VectorSubcoreMesh(core_axis_name="c", subcore_axis_name="s")
    f = functools.partial(
        pl.kernel,
        mesh=mesh,
        compiler_params=pltpu.CompilerParams(needs_layout_passes=False),
        out_type=jax.ShapeDtypeStruct((NG, N_PAD), jnp.float32),
        scratch_types=[
            pltpu.VMEM((GPW, N_PAD), jnp.float32),
            pltpu.VMEM((N,), jnp.int32),
            pltpu.VMEM((EC,), jnp.int32),
            pltpu.VMEM((EC,), jnp.int32),
            pltpu.VMEM((EC,), jnp.int32),
            pltpu.VMEM((EC,), jnp.int32),
            pltpu.SemaphoreType.DMA,
            pltpu.SemaphoreType.DMA,
        ],
    )(_sc_hist_body)
    return f(row, col, batch)


def _tc_pools_body(c_ref, x_ref, b_ref, sx_ref, np_ref, st_ref, cnt_ref):
    i = pl.program_id(0)

    @pl.when(i == 0)
    def _():
        sx_ref[...] = jnp.zeros_like(sx_ref)
        np_ref[...] = jnp.zeros_like(np_ref)
        st_ref[...] = jnp.zeros_like(st_ref)
        cnt_ref[...] = jnp.zeros_like(cnt_ref)

    cb = c_ref[...]
    xb = x_ref[...]
    bb = b_ref[0, 0, :]
    sx_ref[...] += _dot(cb, xb)
    cnt_ref[...] += jnp.sum(cb, axis=1)[:, None]
    gi = lax.broadcasted_iota(jnp.int32, (NG, NB), 0)
    oh = (gi == bb[None, :]).astype(jnp.float32)
    np_ref[...] += _dot(oh, xb)
    ohlt = (gi > bb[None, :]).astype(jnp.float32)
    st_ref[...] += jnp.sum(ohlt, axis=1)[:, None]


def _tc_pools(C, x_pad, batch3):
    return pl.pallas_call(
        _tc_pools_body,
        grid=(N_PAD // NB,),
        in_specs=[
            pl.BlockSpec((NG, NB), lambda i: (0, i)),
            pl.BlockSpec((NB, DN), lambda i: (i, 0)),
            pl.BlockSpec((1, 1, NB), lambda i: (i, 0, 0)),
        ],
        out_specs=[
            pl.BlockSpec((NG, DN), lambda i: (0, 0)),
            pl.BlockSpec((NG, DN), lambda i: (0, 0)),
            pl.BlockSpec((NG, G), lambda i: (0, 0)),
            pl.BlockSpec((NG, G), lambda i: (0, 0)),
        ],
        out_shape=[
            jax.ShapeDtypeStruct((NG, DN), jnp.float32),
            jax.ShapeDtypeStruct((NG, DN), jnp.float32),
            jax.ShapeDtypeStruct((NG, G), jnp.float32),
            jax.ShapeDtypeStruct((NG, G), jnp.float32),
        ],
    )(C, x_pad, batch3)


def _tc_edges_body(col_ref, ea_ref, st_ref, se_ref):
    i = pl.program_id(0)

    @pl.when(i == 0)
    def _():
        se_ref[...] = jnp.zeros_like(se_ref)

    colf = col_ref[0, 0, :].astype(jnp.float32)
    start1 = jnp.max(st_ref[...], axis=1, keepdims=True)
    cmp = (colf[None, :] >= start1).astype(jnp.float32)
    gef = jnp.sum(cmp, axis=0) - 1.0
    gi = lax.broadcasted_iota(jnp.int32, (NG, EB), 0).astype(jnp.float32)
    oh = (gi == gef[None, :]).astype(jnp.bfloat16)
    se_ref[...] += jnp.dot(oh, ea_ref[...].astype(jnp.bfloat16),
                           preferred_element_type=jnp.float32)


def _tc_edges(col3, ea, start):
    return pl.pallas_call(
        _tc_edges_body,
        grid=(E // EB,),
        in_specs=[
            pl.BlockSpec((1, 1, EB), lambda i: (i, 0, 0)),
            pl.BlockSpec((EB, DE), lambda i: (i, 0)),
            pl.BlockSpec((NG, G), lambda i: (0, 0)),
        ],
        out_specs=[
            pl.BlockSpec((NG, DE), lambda i: (0, 0)),
        ],
        out_shape=[
            jax.ShapeDtypeStruct((NG, DE), jnp.float32),
        ],
    )(col3, ea, start)


def _tc_head_body(sx_ref, np_ref, se_ref, cnt_ref,
                  w10, b10, w11, b11, w12, b12,
                  w20, b20, w21, b21, w22, b22, out_ref):
    dot = _dot
    t = dot(w11[...], w12[...])
    a = dot(w10[...], t)
    c1 = dot(b10[...], t) + dot(b11[...], w12[...]) + b12[...]
    cnt1 = jnp.max(cnt_ref[...], axis=1, keepdims=True)
    ep = (dot(sx_ref[...], a[:DN])
          + dot(se_ref[...], a[DN:DN + DE])
          + cnt1 * c1)
    h = jnp.concatenate([np_ref[...], ep], axis=1)
    h = dot(h, w20[...]) + b20[...]
    h = dot(h, w21[...]) + b21[...]
    out_ref[...] = dot(h, w22[...]) + b22[...]


def _tc_head(Sx, NP, Se, cnt, W1_0, b1_0, W1_1, b1_1, W1_2, b1_2,
             W2_0, b2_0, W2_1, b2_1, W2_2, b2_2):
    args = (Sx, NP, Se, cnt,
            W1_0, b1_0.reshape(1, H), W1_1, b1_1.reshape(1, H),
            W1_2, b1_2.reshape(1, H),
            W2_0, b2_0.reshape(1, H), W2_1, b2_1.reshape(1, H),
            W2_2, b2_2.reshape(1, G))
    return pl.pallas_call(
        _tc_head_body,
        out_shape=jax.ShapeDtypeStruct((NG, G), jnp.float32),
    )(*args)


def kernel(x, edge_index, edge_attr, u, batch,
           W1_0, b1_0, W1_1, b1_1, W1_2, b1_2,
           W2_0, b2_0, W2_1, b2_1, W2_2, b2_2):
    row = edge_index[0]
    col = edge_index[1]
    x_pad = jnp.concatenate(
        [x, jnp.zeros((N_PAD - N, DN), jnp.float32)], axis=0)
    batch_pad = jnp.concatenate(
        [batch, jnp.full((N_PAD - N,), NG, jnp.int32)])
    batch3 = batch_pad.reshape(N_PAD // NB, 1, NB)
    col3 = col.reshape(E // EB, 1, EB)

    C = _sc_hist(row, col, batch)
    Sx, NP, start, cnt = _tc_pools(C, x_pad, batch3)
    (Se,) = _tc_edges(col3, edge_attr, start)
    return _tc_head(Sx, NP, Se, cnt,
                    W1_0, b1_0, W1_1, b1_1, W1_2, b1_2,
                    W2_0, b2_0, W2_1, b2_1, W2_2, b2_2)

# --- scband reference (transcript-rebuilt; emitter-appended) ---
"""Pipeline reference for scband-global-model-23854248362704 (READ-ONLY COPY).

The authoritative reference and input builder live on the scoring server;
editing this copy changes nothing except your own understanding.
"""

import jax, jax.numpy as jnp
import numpy as np

N = 10000
E = 320000
DN = 128
DE = 16
H = 256
G = 128
NG = 64

def setup_inputs(seed: int = 0) -> dict:
    key = jax.random.key(seed)
    ks = jax.random.split(key, 20)
    x = jax.random.normal(ks[0], (N, DN), dtype=jnp.float32)
    edge_index = jax.random.randint(ks[1], (2, E), 0, N, dtype=jnp.int32)
    edge_attr = jax.random.normal(ks[2], (E, DE), dtype=jnp.float32)
    u = jax.random.normal(ks[3], (NG, G), dtype=jnp.float32)
    batch = jnp.sort(jax.random.randint(ks[4], (N,), 0, NG, dtype=jnp.int32))
    def lin(k, fin, fout):
        kw, kb = jax.random.split(k)
        s = 1.0 / np.sqrt(fin)
        W = jax.random.uniform(kw, (fin, fout), jnp.float32, -s, s)
        b = jax.random.uniform(kb, (fout,), jnp.float32, -s, s)
        return W, b
    W1_0, b1_0 = lin(ks[5], DN + DE, H)
    W1_1, b1_1 = lin(ks[6], H, H)
    W1_2, b1_2 = lin(ks[7], H, H)
    W2_0, b2_0 = lin(ks[8], H + DN, H)
    W2_1, b2_1 = lin(ks[9], H, H)
    W2_2, b2_2 = lin(ks[10], H, G)
    return {"x": x, "edge_index": edge_index, "edge_attr": edge_attr, "u": u, "batch": batch,
            "W1_0": W1_0, "b1_0": b1_0, "W1_1": W1_1, "b1_1": b1_1, "W1_2": W1_2, "b1_2": b1_2,
            "W2_0": W2_0, "b2_0": b2_0, "W2_1": W2_1, "b2_1": b2_1, "W2_2": W2_2, "b2_2": b2_2}

def reference(x, edge_index, edge_attr, u, batch,
              W1_0, b1_0, W1_1, b1_1, W1_2, b1_2,
              W2_0, b2_0, W2_1, b2_1, W2_2, b2_2):
    # global_mlp_1: Lin(144,256) -> Lin(256,256) -> Lin(256,256)  (activation=None, norm=None)
    def mlp1(h):
        h = h @ W1_0 + b1_0
        h = h @ W1_1 + b1_1
        h = h @ W1_2 + b1_2
        return h
    # global_mlp_2: Lin(384,256) -> Lin(256,256) -> Lin(256,128)
    def mlp2(h):
        h = h @ W2_0 + b2_0
        h = h @ W2_1 + b2_1
        h = h @ W2_2 + b2_2
        return h
    row = edge_index[0]
    col = edge_index[1]
    out = jnp.concatenate([x[row], edge_attr], axis=1)
    out = mlp1(out)
    out = jax.ops.segment_sum(out, col, num_segments=N)
    node_pool = jax.ops.segment_sum(x, batch, num_segments=NG)
    edge_pool = jax.ops.segment_sum(out, batch, num_segments=NG)
    out = jnp.concatenate([node_pool, edge_pool], axis=1)
    return mlp2(out)

if __name__ == "__main__":
    import jax
    _d = setup_inputs()
    print(jax.jit(kernel)(*tuple(_d.values())))

</pallas_src>

<mosaic_0001>
#map = affine_map<(d0, d1) -> (0)>
#map1 = affine_map<(d0, d1) -> (0, 0)>
module attributes {stable_mosaic.version = 14 : i64} {
  func.func @_sc_hist_body(%arg0: i32, %arg1: i32, %arg2: memref<320000xi32, #tpu.memory_space<hbm>>, %arg3: memref<320000xi32, #tpu.memory_space<hbm>>, %arg4: memref<10000xi32, #tpu.memory_space<hbm>>, %arg5: memref<64x10240xf32, #tpu.memory_space<hbm>>, %arg6: memref<2x10240xf32, #tpu.memory_space<vmem>>, %arg7: memref<10000xi32, #tpu.memory_space<vmem>>, %arg8: memref<6400xi32, #tpu.memory_space<vmem>>, %arg9: memref<6400xi32, #tpu.memory_space<vmem>>, %arg10: memref<6400xi32, #tpu.memory_space<vmem>>, %arg11: memref<6400xi32, #tpu.memory_space<vmem>>, %arg12: memref<!tpu.dma_semaphore, #tpu.memory_space<semaphore_mem>>, %arg13: memref<!tpu.dma_semaphore, #tpu.memory_space<semaphore_mem>>) attributes {dimension_semantics = [#tpu.dimension_semantics<core_parallel>, #tpu.dimension_semantics<subcore_parallel>], iteration_bounds = array<i64: 2, 16>, scalar_prefetch = 0 : i64, scratch_operands = 8 : i64, tpu.core_type = #tpu.core_type<sc_vector_subcore>, window_params = [{transform_indices = #map}, {transform_indices = #map}, {transform_indices = #map}, {transform_indices = #map1}]} {
    %mul3A = arith.constant 2 : i32
    %mul3A_0 = arith.muli %arg1, %mul3A : i32
    %add3A = arith.addi %mul3A_0, %arg0 : i32
    %broadcast_in_dim3A = arith.constant 0.000000e+00 : f32
    %broadcast_in_dim3A_1 = vector.broadcast %broadcast_in_dim3A : f32 to vector<16xf32>
    %scan3A = arith.constant 0 : i32
    %scan3A_2 = arith.constant 0 : i32
    %scan3A_3 = arith.constant 640 : i32
    %scan3A_4 = arith.addi %scan3A_2, %scan3A_3 : i32
    %scan3A_5 = arith.constant 8 : i32
    %scan3A_6 = scf.for %scan3A_26 = %scan3A_2 to %scan3A_4 step %scan3A_5 iter_args(%scan3A_27 = %scan3A) -> (i32)  : i32 {
      %mul3A_28 = arith.constant 16 : i32
      %mul3A_29 = arith.muli %scan3A_26, %mul3A_28 : i32
      %swap3A = arith.constant 0 : i32
      %swap3A_30 = arith.index_cast %swap3A : i32 to index
      %swap3A_31 = arith.index_cast %mul3A_29 : i32 to index
      %swap3A_32 = tpu.vector_load %arg6[%swap3A_30, %swap3A_31] {strides = array<i32>} : memref<2x10240xf32, #tpu.memory_space<vmem>>, vector<16xf32>,
      tpu.vector_store %arg6[%swap3A_30, %swap3A_31], %broadcast_in_dim3A_1 {strides = array<i32>} : memref<2x10240xf32, #tpu.memory_space<vmem>>, vector<16xf32>,
      %mul3A_33 = arith.constant 16 : i32
      %mul3A_34 = arith.muli %scan3A_26, %mul3A_33 : i32
      %swap3A_35 = arith.constant 1 : i32
      %swap3A_36 = arith.index_cast %swap3A_35 : i32 to index
      %swap3A_37 = arith.index_cast %mul3A_34 : i32 to index
      %swap3A_38 = tpu.vector_load %arg6[%swap3A_36, %swap3A_37] {strides = array<i32>} : memref<2x10240xf32, #tpu.memory_space<vmem>>, vector<16xf32>,
      tpu.vector_store %arg6[%swap3A_36, %swap3A_37], %broadcast_in_dim3A_1 {strides = array<i32>} : memref<2x10240xf32, #tpu.memory_space<vmem>>, vector<16xf32>,
      %scan3A_39 = arith.constant 0 : i32
      %scan3A_40 = arith.constant 1 : i32
      %scan3A_41 = arith.addi %scan3A_26, %scan3A_40 : i32
      %mul3A_42 = arith.constant 16 : i32
      %mul3A_43 = arith.muli %scan3A_41, %mul3A_42 : i32
      %swap3A_44 = arith.constant 0 : i32
      %swap3A_45 = arith.index_cast %swap3A_44 : i32 to index
      %swap3A_46 = arith.index_cast %mul3A_43 : i32 to index
      %swap3A_47 = tpu.vector_load %arg6[%swap3A_45, %swap3A_46] {strides = array<i32>} : memref<2x10240xf32, #tpu.memory_space<vmem>>, vector<16xf32>,
      tpu.vector_store %arg6[%swap3A_45, %swap3A_46], %broadcast_in_dim3A_1 {strides = array<i32>} : memref<2x10240xf32, #tpu.memory_space<vmem>>, vector<16xf32>,
      %mul3A_48 = arith.constant 16 : i32
      %mul3A_49 = arith.muli %scan3A_41, %mul3A_48 : i32
      %swap3A_50 = arith.constant 1 : i32
      %swap3A_51 = arith.index_cast %swap3A_50 : i32 to index
      %swap3A_52 = arith.index_cast %mul3A_49 : i32 to index
      %swap3A_53 = tpu.vector_load %arg6[%swap3A_51, %swap3A_52] {strides = array<i32>} : memref<2x10240xf32, #tpu.memory_space<vmem>>, vector<16xf32>,
      tpu.vector_store %arg6[%swap3A_51, %swap3A_52], %broadcast_in_dim3A_1 {strides = array<i32>} : memref<2x10240xf32, #tpu.memory_space<vmem>>, vector<16xf32>,
      %scan3A_54 = arith.constant 0 : i32
      %scan3A_55 = arith.constant 2 : i32
      %scan3A_56 = arith.addi %scan3A_26, %scan3A_55 : i32
      %mul3A_57 = arith.constant 16 : i32
      %mul3A_58 = arith.muli %scan3A_56, %mul3A_57 : i32
      %swap3A_59 = arith.constant 0 : i32
      %swap3A_60 = arith.index_cast %swap3A_59 : i32 to index
      %swap3A_61 = arith.index_cast %mul3A_58 : i32 to index
      %swap3A_62 = tpu.vector_load %arg6[%swap3A_60, %swap3A_61] {strides = array<i32>} : memref<2x10240xf32, #tpu.memory_space<vmem>>, vector<16xf32>,
      tpu.vector_store %arg6[%swap3A_60, %swap3A_61], %broadcast_in_dim3A_1 {strides = array<i32>} : memref<2x10240xf32, #tpu.memory_space<vmem>>, vector<16xf32>,
      %mul3A_63 = arith.constant 16 : i32
      %mul3A_64 = arith.muli %scan3A_56, %mul3A_63 : i32
      %swap3A_65 = arith.constant 1 : i32
      %swap3A_66 = arith.index_cast %swap3A_65 : i32 to index
      %swap3A_67 = arith.index_cast %mul3A_64 : i32 to index
      %swap3A_68 = tpu.vector_load %arg6[%swap3A_66, %swap3A_67] {strides = array<i32>} : memref<2x10240xf32, #tpu.memory_space<vmem>>, vector<16xf32>,
      tpu.vector_store %arg6[%swap3A_66, %swap3A_67], %broadcast_in_dim3A_1 {strides = array<i32>} : memref<2x10240xf32, #tpu.memory_space<vmem>>, vector<16xf32>,
      %scan3A_69 = arith.constant 0 : i32
      %scan3A_70 = arith.constant 3 : i32
      %scan3A_71 = arith.addi %scan3A_26, %scan3A_70 : i32
      %mul3A_72 = arith.constant 16 : i32
      %mul3A_73 = arith.muli %scan3A_71, %mul3A_72 : i32
      %swap3A_74 = arith.constant 0 : i32
      %swap3A_75 = arith.index_cast %swap3A_74 : i32 to index
      %swap3A_76 = arith.index_cast %mul3A_73 : i32 to index
      %swap3A_77 = tpu.vector_load %arg6[%swap3A_75, %swap3A_76] {strides = array<i32>} : memref<2x10240xf32, #tpu.memory_space<vmem>>, vector<16xf32>,
      tpu.vector_store %arg6[%swap3A_75, %swap3A_76], %broadcast_in_dim3A_1 {strides = array<i32>} : memref<2x10240xf32, #tpu.memory_space<vmem>>, vector<16xf32>,
      %mul3A_78 = arith.constant 16 : i32
      %mul3A_79 = arith.muli %scan3A_71, %mul3A_78 : i32
      %swap3A_80 = arith.constant 1 : i32
      %swap3A_81 = arith.index_cast %swap3A_80 : i32 to index
      %swap3A_82 = arith.index_cast %mul3A_79 : i32 to index
      %swap3A_83 = tpu.vector_load %arg6[%swap3A_81, %swap3A_82] {strides = array<i32>} : memref<2x10240xf32, #tpu.memory_space<vmem>>, vector<16xf32>,
      tpu.vector_store %arg6[%swap3A_81, %swap3A_82], %broadcast_in_dim3A_1 {strides = array<i32>} : memref<2x10240xf32, #tpu.memory_space<vmem>>, vector<16xf32>,
      %scan3A_84 = arith.constant 0 : i32
      %scan3A_85 = arith.constant 4 : i32
      %scan3A_86 = arith.addi %scan3A_26, %scan3A_85 : i32
      %mul3A_87 = arith.constant 16 : i32
      %mul3A_88 = arith.muli %scan3A_86, %mul3A_87 : i32
      %swap3A_89 = arith.constant 0 : i32
      %swap3A_90 = arith.index_cast %swap3A_89 : i32 to index
      %swap3A_91 = arith.index_cast %mul3A_88 : i32 to index
      %swap3A_92 = tpu.vector_load %arg6[%swap3A_90, %swap3A_91] {strides = array<i32>} : memref<2x10240xf32, #tpu.memory_space<vmem>>, vector<16xf32>,
      tpu.vector_store %arg6[%swap3A_90, %swap3A_91], %broadcast_in_dim3A_1 {strides = array<i32>} : memref<2x10240xf32, #tpu.memory_space<vmem>>, vector<16xf32>,
      %mul3A_93 = arith.constant 16 : i32
      %mul3A_94 = arith.muli %scan3A_86, %mul3A_93 : i32
      %swap3A_95 = arith.constant 1 : i32
      %swap3A_96 = arith.index_cast %swap3A_95 : i32 to index
      %swap3A_97 = arith.index_cast %mul3A_94 : i32 to index
      %swap3A_98 = tpu.vector_load %arg6[%swap3A_96, %swap3A_97] {strides = array<i32>} : memref<2x10240xf32, #tpu.memory_space<vmem>>, vector<16xf32>,
      tpu.vector_store %arg6[%swap3A_96, %swap3A_97], %broadcast_in_dim3A_1 {strides = array<i32>} : memref<2x10240xf32, #tpu.memory_space<vmem>>, vector<16xf32>,
      %scan3A_99 = arith.constant 0 : i32
      %scan3A_100 = arith.constant 5 : i32
      %scan3A_101 = arith.addi %scan3A_26, %scan3A_100 : i32
      %mul3A_102 = arith.constant 16 : i32
      %mul3A_103 = arith.muli %scan3A_101, %mul3A_102 : i32
      %swap3A_104 = arith.constant 0 : i32
      %swap3A_105 = arith.index_cast %swap3A_104 : i32 to index
      %swap3A_106 = arith.index_cast %mul3A_103 : i32 to index
      %swap3A_107 = tpu.vector_load %arg6[%swap3A_105, %swap3A_106] {strides = array<i32>} : memref<2x10240xf32, #tpu.memory_space<vmem>>, vector<16xf32>,
      tpu.vector_store %arg6[%swap3A_105, %swap3A_106], %broadcast_in_dim3A_1 {strides = array<i32>} : memref<2x10240xf32, #tpu.memory_space<vmem>>, vector<16xf32>,
      %mul3A_108 = arith.constant 16 : i32
      %mul3A_109 = arith.muli %scan3A_101, %mul3A_108 : i32
      %swap3A_110 = arith.constant 1 : i32
      %swap3A_111 = arith.index_cast %swap3A_110 : i32 to index
      %swap3A_112 = arith.index_cast %mul3A_109 : i32 to index
      %swap3A_113 = tpu.vector_load %arg6[%swap3A_111, %swap3A_112] {strides = array<i32>} : memref<2x10240xf32, #tpu.memory_space<vmem>>, vector<16xf32>,
      tpu.vector_store %arg6[%swap3A_111, %swap3A_112], %broadcast_in_dim3A_1 {strides = array<i32>} : memref<2x10240xf32, #tpu.memory_space<vmem>>, vector<16xf32>,
      %scan3A_114 = arith.constant 0 : i32
      %scan3A_115 = arith.constant 6 : i32
      %scan3A_116 = arith.addi %scan3A_26, %scan3A_115 : i32
      %mul3A_117 = arith.constant 16 : i32
      %mul3A_118 = arith.muli %scan3A_116, %mul3A_117 : i32
      %swap3A_119 = arith.constant 0 : i32
      %swap3A_120 = arith.index_cast %swap3A_119 : i32 to index
      %swap3A_121 = arith.index_cast %mul3A_118 : i32 to index
      %swap3A_122 = tpu.vector_load %arg6[%swap3A_120, %swap3A_121] {strides = array<i32>} : memref<2x10240xf32, #tpu.memory_space<vmem>>, vector<16xf32>,
      tpu.vector_store %arg6[%swap3A_120, %swap3A_121], %broadcast_in_dim3A_1 {strides = array<i32>} : memref<2x10240xf32, #tpu.memory_space<vmem>>, vector<16xf32>,
      %mul3A_123 = arith.constant 16 : i32
      %mul3A_124 = arith.muli %scan3A_116, %mul3A_123 : i32
      %swap3A_125 = arith.constant 1 : i32
      %swap3A_126 = arith.index_cast %swap3A_125 : i32 to index
      %swap3A_127 = arith.index_cast %mul3A_124 : i32 to index
      %swap3A_128 = tpu.vector_load %arg6[%swap3A_126, %swap3A_127] {strides = array<i32>} : memref<2x10240xf32, #tpu.memory_space<vmem>>, vector<16xf32>,
      tpu.vector_store %arg6[%swap3A_126, %swap3A_127], %broadcast_in_dim3A_1 {strides = array<i32>} : memref<2x10240xf32, #tpu.memory_space<vmem>>, vector<16xf32>,
      %scan3A_129 = arith.constant 0 : i32
      %scan3A_130 = arith.constant 7 : i32
      %scan3A_131 = arith.addi %scan3A_26, %scan3A_130 : i32
      %mul3A_132 = arith.constant 16 : i32
      %mul3A_133 = arith.muli %scan3A_131, %mul3A_132 : i32
      %swap3A_134 = arith.constant 0 : i32
      %swap3A_135 = arith.index_cast %swap3A_134 : i32 to index
      %swap3A_136 = arith.index_cast %mul3A_133 : i32 to index
      %swap3A_137 = tpu.vector_load %arg6[%swap3A_135, %swap3A_136] {strides = array<i32>} : memref<2x10240xf32, #tpu.memory_space<vmem>>, vector<16xf32>,
      tpu.vector_store %arg6[%swap3A_135, %swap3A_136], %broadcast_in_dim3A_1 {strides = array<i32>} : memref<2x10240xf32, #tpu.memory_space<vmem>>, vector<16xf32>,
      %mul3A_138 = arith.constant 16 : i32
      %mul3A_139 = arith.muli %scan3A_131, %mul3A_138 : i32
      %swap3A_140 = arith.constant 1 : i32
      %swap3A_141 = arith.index_cast %swap3A_140 : i32 to index
      %swap3A_142 = arith.index_cast %mul3A_139 : i32 to index
      %swap3A_143 = tpu.vector_load %arg6[%swap3A_141, %swap3A_142] {strides = array<i32>} : memref<2x10240xf32, #tpu.memory_space<vmem>>, vector<16xf32>,
      tpu.vector_store %arg6[%swap3A_141, %swap3A_142], %broadcast_in_dim3A_1 {strides = array<i32>} : memref<2x10240xf32, #tpu.memory_space<vmem>>, vector<16xf32>,
      %scan3A_144 = arith.constant 0 : i32
      scf.yield %scan3A_144 : i32
    }
    %scan3A_7 = arith.constant 640 : i32
    "tpu.region"() ({
      %run_scoped3A = tpu.sem_alloc : memref<!tpu.dma_semaphore, #tpu.memory_space<semaphore_mem>>
      tpu.enqueue_dma source(%arg4 : memref<10000xi32, #tpu.memory_space<hbm>>) target(%arg7 : memref<10000xi32, #tpu.memory_space<vmem>>) target_semaphore(%run_scoped3A : memref<!tpu.dma_semaphore, #tpu.memory_space<semaphore_mem>>)
      tpu.wait_dma2 semaphore(%run_scoped3A : memref<!tpu.dma_semaphore, #tpu.memory_space<semaphore_mem>>) src(%arg4 : memref<10000xi32, #tpu.memory_space<hbm>>) dst(%arg7 : memref<10000xi32, #tpu.memory_space<vmem>>)
      tpu.yield
    }) : () -> ()
    %broadcast_in_dim3A_8 = arith.constant 1.000000e+00 : f32
    %broadcast_in_dim3A_9 = vector.broadcast %broadcast_in_dim3A_8 : f32 to vector<16xf32>
    %dma_start3A = arith.constant 0 : i32
    %dma_start3A_10 = tpu.memref_slice %arg2[%dma_start3A] : memref<320000xi32, #tpu.memory_space<hbm>> -> memref<6400xi32, #tpu.memory_space<hbm>>
    %dma_start3A_11 = arith.constant 0 : i32
    %dma_start3A_12 = tpu.memref_slice %arg2[%dma_start3A_11] : memref<320000xi32, #tpu.memory_space<hbm>> -> memref<6400xi32, #tpu.memory_space<hbm>>
    tpu.enqueue_dma source(%dma_start3A_12 : memref<6400xi32, #tpu.memory_space<hbm>>) target(%arg8 : memref<6400xi32, #tpu.memory_space<vmem>>) target_semaphore(%arg12 : memref<!tpu.dma_semaphore, #tpu.memory_space<semaphore_mem>>)
    %dma_start3A_13 = arith.constant 0 : i32
    %dma_start3A_14 = tpu.memref_slice %arg3[%dma_start3A_13] : memref<320000xi32, #tpu.memory_space<hbm>> -> memref<6400xi32, #tpu.memory_space<hbm>>
    %dma_start3A_15 = arith.constant 0 : i32
    %dma_start3A_16 = tpu.memref_slice %arg3[%dma_start3A_15] : memref<320000xi32, #tpu.memory_space<hbm>> -> memref<6400xi32, #tpu.memory_space<hbm>>
    tpu.enqueue_dma source(%dma_start3A_16 : memref<6400xi32, #tpu.memory_space<hbm>>) target(%arg9 : memref<6400xi32, #tpu.memory_space<vmem>>) target_semaphore(%arg12 : memref<!tpu.dma_semaphore, #tpu.memory_space<semaphore_mem>>)
    %scan3A_17 = arith.constant 0 : i32
    %scan3A_18 = arith.constant 0 : i32
    %scan3A_19 = arith.constant 25 : i32
    %scan3A_20 = arith.addi %scan3A_18, %scan3A_19 : i32
    %scan3A_21 = arith.constant 1 : i32
    %scan3A_22 = scf.for %scan3A_26 = %scan3A_18 to %scan3A_20 step %scan3A_21 iter_args(%scan3A_27 = %scan3A_17) -> (i32)  : i32 {
      %mul3A_28 = arith.constant 2 : i32
      %mul3A_29 = arith.muli %scan3A_26, %mul3A_28 : i32
      %add3A_30 = arith.constant 1 : i32
      %add3A_31 = arith.addi %mul3A_29, %add3A_30 : i32
      %mul3A_32 = arith.constant 6400 : i32
      %mul3A_33 = arith.muli %add3A_31, %mul3A_32 : i32
      %dma_start3A_34 = tpu.memref_slice %arg2[%mul3A_33] : memref<320000xi32, #tpu.memory_space<hbm>> -> memref<6400xi32, #tpu.memory_space<hbm>>
      %dma_start3A_35 = tpu.memref_slice %arg2[%mul3A_33] : memref<320000xi32, #tpu.memory_space<hbm>> -> memref<6400xi32, #tpu.memory_space<hbm>>
      tpu.enqueue_dma source(%dma_start3A_35 : memref<6400xi32, #tpu.memory_space<hbm>>) target(%arg10 : memref<6400xi32, #tpu.memory_space<vmem>>) target_semaphore(%arg13 : memref<!tpu.dma_semaphore, #tpu.memory_space<semaphore_mem>>)
      %mul3A_36 = arith.constant 6400 : i32
      %mul3A_37 = arith.muli %add3A_31, %mul3A_36 : i32
      %dma_start3A_38 = tpu.memref_slice %arg3[%mul3A_37] : memref<320000xi32, #tpu.memory_space<hbm>> -> memref<6400xi32, #tpu.memory_space<hbm>>
      %dma_start3A_39 = tpu.memref_slice %arg3[%mul3A_37] : memref<320000xi32, #tpu.memory_space<hbm>> -> memref<6400xi32, #tpu.memory_space<hbm>>
      tpu.enqueue_dma source(%dma_start3A_39 : memref<6400xi32, #tpu.memory_space<hbm>>) target(%arg11 : memref<6400xi32, #tpu.memory_space<vmem>>) target_semaphore(%arg13 : memref<!tpu.dma_semaphore, #tpu.memory_space<semaphore_mem>>)
      %mul3A_40 = arith.constant 6400 : i32
      %mul3A_41 = arith.muli %mul3A_29, %mul3A_40 : i32
      %dma_wait3A = tpu.memref_slice %arg2[%mul3A_41] : memref<320000xi32, #tpu.memory_space<hbm>> -> memref<6400xi32, #tpu.memory_space<hbm>>
      %dma_wait3A_42 = tpu.memref_slice %arg2[%mul3A_41] : memref<320000xi32, #tpu.memory_space<hbm>> -> memref<6400xi32, #tpu.memory_space<hbm>>
      tpu.wait_dma2 semaphore(%arg12 : memref<!tpu.dma_semaphore, #tpu.memory_space<semaphore_mem>>) src(%dma_wait3A_42 : memref<6400xi32, #tpu.memory_space<hbm>>) dst(%arg8 : memref<6400xi32, #tpu.memory_space<vmem>>)
      %mul3A_43 = arith.constant 6400 : i32
      %mul3A_44 = arith.muli %mul3A_29, %mul3A_43 : i32
      %dma_wait3A_45 = tpu.memref_slice %arg3[%mul3A_44] : memref<320000xi32, #tpu.memory_space<hbm>> -> memref<6400xi32, #tpu.memory_space<hbm>>
      %dma_wait3A_46 = tpu.memref_slice %arg3[%mul3A_44] : memref<320000xi32, #tpu.memory_space<hbm>> -> memref<6400xi32, #tpu.memory_space<hbm>>
      tpu.wait_dma2 semaphore(%arg12 : memref<!tpu.dma_semaphore, #tpu.memory_space<semaphore_mem>>) src(%dma_wait3A_46 : memref<6400xi32, #tpu.memory_space<hbm>>) dst(%arg9 : memref<6400xi32, #tpu.memory_space<vmem>>)
      %parallel_loop3A = arith.constant 0 : i32
      %parallel_loop3A_47 = arith.constant 400 : i32
      %parallel_loop3A_48 = arith.constant 1 : i32
      scf.for %parallel_loop3A_67 = %parallel_loop3A to %parallel_loop3A_47 step %parallel_loop3A_48  : i32 {
        %parallel_loop3A_68 = arith.constant 16 : i32
        %parallel_loop3A_69 = arith.muli %parallel_loop3A_67, %parallel_loop3A_68 : i32
        %parallel_loop3A_70 = arith.index_cast %parallel_loop3A_69 : i32 to index
        %parallel_loop3A_71 = tpu.vector_load %arg9[%parallel_loop3A_70] {strides = array<i32>} : memref<6400xi32, #tpu.memory_space<vmem>>, vector<16xi32>,
        %parallel_loop3A_72 = arith.constant 16 : i32
        %parallel_loop3A_73 = arith.muli %parallel_loop3A_67, %parallel_loop3A_72 : i32
        %parallel_loop3A_74 = arith.index_cast %parallel_loop3A_73 : i32 to index
        %parallel_loop3A_75 = tpu.vector_load %arg8[%parallel_loop3A_74] {strides = array<i32>} : memref<6400xi32, #tpu.memory_space<vmem>>, vector<16xi32>,
        %parallel_loop3A_76 = tpu.vector_load_idx %arg7[%parallel_loop3A_71] : memref<10000xi32, #tpu.memory_space<vmem>>[vector<16xi32>], vector<16xi32>,
        %parallel_loop3A_77 = arith.constant 1 : i32
        %parallel_loop3A_78 = vector.broadcast %parallel_loop3A_77 : i32 to vector<16xi32>
        %parallel_loop3A_79 = arith.shrui %parallel_loop3A_76, %parallel_loop3A_78 : vector<16xi32>
        %parallel_loop3A_80 = vector.broadcast %add3A : i32 to vector<16xi32>
        %parallel_loop3A_81 = arith.cmpi eq, %parallel_loop3A_79, %parallel_loop3A_80 : vector<16xi32>
        %parallel_loop3A_82 = arith.constant 1 : i32
        %parallel_loop3A_83 = vector.broadcast %parallel_loop3A_82 : i32 to vector<16xi32>
        %parallel_loop3A_84 = arith.andi %parallel_loop3A_76, %parallel_loop3A_83 : vector<16xi32>
        tpu.vector_store_idx %arg6[%parallel_loop3A_84, %parallel_loop3A_75], %broadcast_in_dim3A_9 masked %parallel_loop3A_81 {add = true} : memref<2x10240xf32, #tpu.memory_space<vmem>>[vector<16xi32>, vector<16xi32>], vector<16xf32>, vector<16xi1>
      } {sc.loop_unroll_factor = 8 : i64, sc.parallel_access}
      %add3A_49 = arith.constant 2 : i32
      %add3A_50 = arith.addi %mul3A_29, %add3A_49 : i32
      %lt3A = arith.constant 50 : i32
      %lt3A_51 = arith.cmpi slt, %add3A_50, %lt3A : i32
      %convert_element_type3A = arith.extui %lt3A_51 : i1 to i32
      %cond3A = arith.constant 0 : i32
      %cond3A_52 = arith.cmpi ne, %convert_element_type3A, %cond3A : i32
      scf.if %cond3A_52 {
        %add3A_67 = arith.constant 2 : i32
        %add3A_68 = arith.addi %mul3A_29, %add3A_67 : i32
        %mul3A_69 = arith.constant 6400 : i32
        %mul3A_70 = arith.muli %add3A_68, %mul3A_69 : i32
        %dma_start3A_71 = tpu.memref_slice %arg2[%mul3A_70] : memref<320000xi32, #tpu.memory_space<hbm>> -> memref<6400xi32, #tpu.memory_space<hbm>>
        %dma_start3A_72 = tpu.memref_slice %arg2[%mul3A_70] : memref<320000xi32, #tpu.memory_space<hbm>> -> memref<6400xi32, #tpu.memory_space<hbm>>
        tpu.enqueue_dma source(%dma_start3A_72 : memref<6400xi32, #tpu.memory_space<hbm>>) target(%arg8 : memref<6400xi32, #tpu.memory_space<vmem>>) target_semaphore(%arg12 : memref<!tpu.dma_semaphore, #tpu.memory_space<semaphore_mem>>)
        %mul3A_73 = arith.constant 6400 : i32
        %mul3A_74 = arith.muli %add3A_68, %mul3A_73 : i32
        %dma_start3A_75 = tpu.memref_slice %arg3[%mul3A_74] : memref<320000xi32, #tpu.memory_space<hbm>> -> memref<6400xi32, #tpu.memory_space<hbm>>
        %dma_start3A_76 = tpu.memref_slice %arg3[%mul3A_74] : memref<320000xi32, #tpu.memory_space<hbm>> -> memref<6400xi32, #tpu.memory_space<hbm>>
        tpu.enqueue_dma source(%dma_start3A_76 : memref<6400xi32, #tpu.memory_space<hbm>>) target(%arg9 : memref<6400xi32, #tpu.memory_space<vmem>>) target_semaphore(%arg12 : memref<!tpu.dma_semaphore, #tpu.memory_space<semaphore_mem>>)
      } else {
      }
      %add3A_53 = arith.constant 1 : i32
      %add3A_54 = arith.addi %mul3A_29, %add3A_53 : i32
      %mul3A_55 = arith.constant 6400 : i32
      %mul3A_56 = arith.muli %add3A_54, %mul3A_55 : i32
      %dma_wait3A_57 = tpu.memref_slice %arg2[%mul3A_56] : memref<320000xi32, #tpu.memory_space<hbm>> -> memref<6400xi32, #tpu.memory_space<hbm>>
      %dma_wait3A_58 = tpu.memref_slice %arg2[%mul3A_56] : memref<320000xi32, #tpu.memory_space<hbm>> -> memref<6400xi32, #tpu.memory_space<hbm>>
      tpu.wait_dma2 semaphore(%arg13 : memref<!tpu.dma_semaphore, #tpu.memory_space<semaphore_mem>>) src(%dma_wait3A_58 : memref<6400xi32, #tpu.memory_space<hbm>>) dst(%arg10 : memref<6400xi32, #tpu.memory_space<vmem>>)
      %mul3A_59 = arith.constant 6400 : i32
      %mul3A_60 = arith.muli %add3A_54, %mul3A_59 : i32
      %dma_wait3A_61 = tpu.memref_slice %arg3[%mul3A_60] : memref<320000xi32, #tpu.memory_space<hbm>> -> memref<6400xi32, #tpu.memory_space<hbm>>
      %dma_wait3A_62 = tpu.memref_slice %arg3[%mul3A_60] : memref<320000xi32, #tpu.memory_space<hbm>> -> memref<6400xi32, #tpu.memory_space<hbm>>
      tpu.wait_dma2 semaphore(%arg13 : memref<!tpu.dma_semaphore, #tpu.memory_space<semaphore_mem>>) src(%dma_wait3A_62 : memref<6400xi32, #tpu.memory_space<hbm>>) dst(%arg11 : memref<6400xi32, #tpu.memory_space<vmem>>)
      %parallel_loop3A_63 = arith.constant 0 : i32
      %parallel_loop3A_64 = arith.constant 400 : i32
      %parallel_loop3A_65 = arith.constant 1 : i32
      scf.for %parallel_loop3A_67 = %parallel_loop3A_63 to %parallel_loop3A_64 step %parallel_loop3A_65  : i32 {
        %parallel_loop3A_68 = arith.constant 16 : i32
        %parallel_loop3A_69 = arith.muli %parallel_loop3A_67, %parallel_loop3A_68 : i32
        %parallel_loop3A_70 = arith.index_cast %parallel_loop3A_69 : i32 to index
        %parallel_loop3A_71 = tpu.vector_load %arg11[%parallel_loop3A_70] {strides = array<i32>} : memref<6400xi32, #tpu.memory_space<vmem>>, vector<16xi32>,
        %parallel_loop3A_72 = arith.constant 16 : i32
        %parallel_loop3A_73 = arith.muli %parallel_loop3A_67, %parallel_loop3A_72 : i32
        %parallel_loop3A_74 = arith.index_cast %parallel_loop3A_73 : i32 to index
        %parallel_loop3A_75 = tpu.vector_load %arg10[%parallel_loop3A_74] {strides = array<i32>} : memref<6400xi32, #tpu.memory_space<vmem>>, vector<16xi32>,
        %parallel_loop3A_76 = tpu.vector_load_idx %arg7[%parallel_loop3A_71] : memref<10000xi32, #tpu.memory_space<vmem>>[vector<16xi32>], vector<16xi32>,
        %parallel_loop3A_77 = arith.constant 1 : i32
        %parallel_loop3A_78 = vector.broadcast %parallel_loop3A_77 : i32 to vector<16xi32>
        %parallel_loop3A_79 = arith.shrui %parallel_loop3A_76, %parallel_loop3A_78 : vector<16xi32>
        %parallel_loop3A_80 = vector.broadcast %add3A : i32 to vector<16xi32>
        %parallel_loop3A_81 = arith.cmpi eq, %parallel_loop3A_79, %parallel_loop3A_80 : vector<16xi32>
        %parallel_loop3A_82 = arith.constant 1 : i32
        %parallel_loop3A_83 = vector.broadcast %parallel_loop3A_82 : i32 to vector<16xi32>
        %parallel_loop3A_84 = arith.andi %parallel_loop3A_76, %parallel_loop3A_83 : vector<16xi32>
        tpu.vector_store_idx %arg6[%parallel_loop3A_84, %parallel_loop3A_75], %broadcast_in_dim3A_9 masked %parallel_loop3A_81 {add = true} : memref<2x10240xf32, #tpu.memory_space<vmem>>[vector<16xi32>, vector<16xi32>], vector<16xf32>, vector<16xi1>
      } {sc.loop_unroll_factor = 8 : i64, sc.parallel_access}
      %scan3A_66 = arith.constant 0 : i32
      scf.yield %scan3A_66 : i32
    }
    %scan3A_23 = arith.constant 25 : i32
    %mul3A_24 = arith.constant 2 : i32
    %mul3A_25 = arith.muli %add3A, %mul3A_24 : i32
    "tpu.region"() ({
      %run_scoped3A = tpu.sem_alloc : memref<!tpu.dma_semaphore, #tpu.memory_space<semaphore_mem>>
      %dma_start3A_26 = arith.constant 0 : i32
      %dma_start3A_27 = tpu.memref_slice %arg5[%mul3A_25, %dma_start3A_26] : memref<64x10240xf32, #tpu.memory_space<hbm>> -> memref<2x10240xf32, #tpu.memory_space<hbm>>
      %dma_start3A_28 = arith.constant 0 : i32
      %dma_start3A_29 = tpu.memref_slice %arg5[%mul3A_25, %dma_start3A_28] : memref<64x10240xf32, #tpu.memory_space<hbm>> -> memref<2x10240xf32, #tpu.memory_space<hbm>>
      tpu.enqueue_dma source(%arg6 : memref<2x10240xf32, #tpu.memory_space<vmem>>) target(%dma_start3A_29 : memref<2x10240xf32, #tpu.memory_space<hbm>>) target_semaphore(%run_scoped3A : memref<!tpu.dma_semaphore, #tpu.memory_space<semaphore_mem>>)
      %dma_wait3A = arith.constant 0 : i32
      %dma_wait3A_30 = tpu.memref_slice %arg5[%mul3A_25, %dma_wait3A] : memref<64x10240xf32, #tpu.memory_space<hbm>> -> memref<2x10240xf32, #tpu.memory_space<hbm>>
      %dma_wait3A_31 = arith.constant 0 : i32
      %dma_wait3A_32 = tpu.memref_slice %arg5[%mul3A_25, %dma_wait3A_31] : memref<64x10240xf32, #tpu.memory_space<hbm>> -> memref<2x10240xf32, #tpu.memory_space<hbm>>
      tpu.wait_dma2 semaphore(%run_scoped3A : memref<!tpu.dma_semaphore, #tpu.memory_space<semaphore_mem>>) src(%arg6 : memref<2x10240xf32, #tpu.memory_space<vmem>>) dst(%dma_wait3A_32 : memref<2x10240xf32, #tpu.memory_space<hbm>>)
      tpu.yield
    }) : () -> ()
    return
  }
}

module attributes {stable_mosaic.version = 14 : i64} {
  func.func @_tc_edges_body(%arg0: i32, %arg1: memref<1x1x8000xi32, #tpu.memory_space<vmem>>, %arg2: memref<8000x16xf32, #tpu.memory_space<vmem>>, %arg3: memref<64x128xf32, #tpu.memory_space<vmem>>, %arg4: memref<64x16xf32, #tpu.memory_space<vmem>>) attributes {dimension_semantics = [#tpu.dimension_semantics<arbitrary>], iteration_bounds = array<i64: 40>, scalar_prefetch = 0 : i64, scratch_operands = 0 : i64, tpu.core_type = #tpu.core_type<tc>, window_params = [{transform_indices = @transform_0, window_bounds = array<i64: 1, 1, 8000>}, {transform_indices = @transform_1, window_bounds = array<i64: 8000, 16>}, {pipeline_mode = #tpu.pipeline_mode<synchronous>, transform_indices = @transform_2, window_bounds = array<i64: 64, 128>}, {pipeline_mode = #tpu.pipeline_mode<synchronous>, transform_indices = @transform_3, window_bounds = array<i64: 64, 16>}]} {
    %eq3A = arith.constant 0 : i32
    %eq3A_0 = arith.cmpi eq, %arg0, %eq3A : i32
    %convert_element_type3A = arith.extui %eq3A_0 : i1 to i32
    %cond3A = arith.constant 0 : i32
    %cond3A_1 = arith.cmpi ne, %convert_element_type3A, %cond3A : i32
    scf.if %cond3A_1 {
      %broadcast_in_dim3A_36 = arith.constant 0.000000e+00 : f32
      %broadcast_in_dim3A_37 = vector.broadcast %broadcast_in_dim3A_36 : f32 to vector<64x16xf32>
      %swap3A_38 = arith.constant 0 : index
      %swap3A_39 = arith.constant 0 : index
      %swap3A_40 = vector.load %arg4[%swap3A_38, %swap3A_39] : memref<64x16xf32, #tpu.memory_space<vmem>>, vector<64x16xf32>
      tpu.vector_store %arg4[%swap3A_38, %swap3A_39], %broadcast_in_dim3A_37 {strides = array<i32>} : memref<64x16xf32, #tpu.memory_space<vmem>>, vector<64x16xf32>,
    } else {
    }
    %get3A = arith.constant 0 : index
    %get3A_2 = arith.constant 0 : index
    %get3A_3 = arith.constant 0 : index
    %get3A_4 = vector.load %arg1[%get3A, %get3A_2, %get3A_3] : memref<1x1x8000xi32, #tpu.memory_space<vmem>>, vector<1x1x8000xi32>
    %get3A_5 = vector.shape_cast %get3A_4 : vector<1x1x8000xi32> to vector<8000xi32>
    %convert_element_type3A_6 = arith.sitofp %get3A_5 : vector<8000xi32> to vector<8000xf32>
    %get3A_7 = arith.constant 0 : index
    %get3A_8 = arith.constant 0 : index
    %get3A_9 = vector.load %arg3[%get3A_7, %get3A_8] : memref<64x128xf32, #tpu.memory_space<vmem>>, vector<64x128xf32>
    %reduce_max3A = arith.constant dense<0xFF800000> : vector<64xf32>
    %reduce_max3A_10 = vector.multi_reduction <maximumf>, %get3A_9, %reduce_max3A [1] : vector<64x128xf32> to vector<64xf32>
    %broadcast_in_dim3A = vector.shape_cast %reduce_max3A_10 : vector<64xf32> to vector<64x1xf32>
    %broadcast_in_dim3A_11 = vector.shape_cast %convert_element_type3A_6 : vector<8000xf32> to vector<1x8000xf32>
    %ge3A = vector.broadcast %broadcast_in_dim3A_11 : vector<1x8000xf32> to vector<64x8000xf32>
    %ge3A_12 = vector.broadcast %broadcast_in_dim3A : vector<64x1xf32> to vector<64x8000xf32>
    %ge3A_13 = arith.cmpf oge, %ge3A, %ge3A_12 : vector<64x8000xf32>
    %convert_element_type3A_14 = arith.extui %ge3A_13 : vector<64x8000xi1> to vector<64x8000xi32>
    %convert_element_type3A_15 = arith.sitofp %convert_element_type3A_14 : vector<64x8000xi32> to vector<64x8000xf32>
    %reduce_sum3A = arith.constant dense<0.000000e+00> : vector<8000xf32>
    %reduce_sum3A_16 = vector.multi_reduction <add>, %convert_element_type3A_15, %reduce_sum3A [0] : vector<64x8000xf32> to vector<8000xf32>
    %sub3A = arith.constant 1.000000e+00 : f32
    %sub3A_17 = vector.broadcast %sub3A : f32 to vector<8000xf32>
    %sub3A_18 = arith.subf %reduce_sum3A_16, %sub3A_17 : vector<8000xf32>
    %iota3A = tpu.iota {dimensions = array<i32: 0>} : vector<64x8000xi32>
    %convert_element_type3A_19 = arith.sitofp %iota3A : vector<64x8000xi32> to vector<64x8000xf32>
    %broadcast_in_dim3A_20 = vector.shape_cast %sub3A_18 : vector<8000xf32> to vector<1x8000xf32>
    %eq3A_21 = vector.broadcast %broadcast_in_dim3A_20 : vector<1x8000xf32> to vector<64x8000xf32>
    %eq3A_22 = arith.cmpf oeq, %convert_element_type3A_19, %eq3A_21 : vector<64x8000xf32>
    %convert_element_type3A_23 = arith.extui %eq3A_22 : vector<64x8000xi1> to vector<64x8000xi32>
    %convert_element_type3A_24 = arith.sitofp %convert_element_type3A_23 : vector<64x8000xi32> to vector<64x8000xf32>
    %convert_element_type3A_25 = arith.truncf %convert_element_type3A_24 : vector<64x8000xf32> to vector<64x8000xbf16>
    %get3A_26 = arith.constant 0 : index
    %get3A_27 = arith.constant 0 : index
    %get3A_28 = vector.load %arg4[%get3A_26, %get3A_27] : memref<64x16xf32, #tpu.memory_space<vmem>>, vector<64x16xf32>
    %get3A_29 = arith.constant 0 : index
    %get3A_30 = arith.constant 0 : index
    %get3A_31 = vector.load %arg2[%get3A_29, %get3A_30] : memref<8000x16xf32, #tpu.memory_space<vmem>>, vector<8000x16xf32>
    %convert_element_type3A_32 = arith.truncf %get3A_31 : vector<8000x16xf32> to vector<8000x16xbf16>
    %dot_general3A = arith.constant dense<0.000000e+00> : vector<64x16xf32>
    %dot_general3A_33 = tpu.matmul %convert_element_type3A_25, %convert_element_type3A_32, %dot_general3A {dimension_numbers = #tpu.dot_dimension_numbers<[1], [0], [0], [1], [0, 0, 1, 1], [], []>, transpose_lhs_hint = false} : vector<64x8000xbf16>, vector<8000x16xbf16>, vector<64x16xf32> -> vector<64x16xf32>
    %add3A = arith.addf %get3A_28, %dot_general3A_33 : vector<64x16xf32>
    %swap3A = arith.constant 0 : index
    %swap3A_34 = arith.constant 0 : index
    %swap3A_35 = vector.load %arg4[%swap3A, %swap3A_34] : memref<64x16xf32, #tpu.memory_space<vmem>>, vector<64x16xf32>
    tpu.vector_store %arg4[%swap3A, %swap3A_34], %add3A {strides = array<i32>} : memref<64x16xf32, #tpu.memory_space<vmem>>, vector<64x16xf32>,
    return
  }
  func.func @transform_0(%arg0: i32) -> (i32, i32, i32) {
    %c0_i32 = arith.constant 0 : i32
    %c0_i32_0 = arith.constant 0 : i32
    %c0_i32_1 = arith.constant 0 : i32
    return %arg0, %c0_i32, %c0_i32_0 : i32, i32, i32
  }
  func.func @transform_1(%arg0: i32) -> (i32, i32) {
    %c0_i32 = arith.constant 0 : i32
    %c0_i32_0 = arith.constant 0 : i32
    return %arg0, %c0_i32 : i32, i32
  }
  func.func @transform_2(%arg0: i32) -> (i32, i32) {
    %c0_i32 = arith.constant 0 : i32
    %c0_i32_0 = arith.constant 0 : i32
    %c0_i32_1 = arith.constant 0 : i32
    return %c0_i32, %c0_i32_0 : i32, i32
  }
  func.func @transform_3(%arg0: i32) -> (i32, i32) {
    %c0_i32 = arith.constant 0 : i32
    %c0_i32_0 = arith.constant 0 : i32
    %c0_i32_1 = arith.constant 0 : i32
    return %c0_i32, %c0_i32_0 : i32, i32
  }
}

module attributes {stable_mosaic.version = 14 : i64} {
  func.func @_tc_pools_body(%arg0: i32, %arg1: memref<64x2048xf32, #tpu.memory_space<vmem>>, %arg2: memref<2048x128xf32, #tpu.memory_space<vmem>>, %arg3: memref<1x1x2048xi32, #tpu.memory_space<vmem>>, %arg4: memref<64x128xf32, #tpu.memory_space<vmem>>, %arg5: memref<64x128xf32, #tpu.memory_space<vmem>>, %arg6: memref<64x128xf32, #tpu.memory_space<vmem>>, %arg7: memref<64x128xf32, #tpu.memory_space<vmem>>) attributes {dimension_semantics = [#tpu.dimension_semantics<arbitrary>], iteration_bounds = array<i64: 5>, scalar_prefetch = 0 : i64, scratch_operands = 0 : i64, tpu.core_type = #tpu.core_type<tc>, window_params = [{transform_indices = @transform_0, window_bounds = array<i64: 64, 2048>}, {transform_indices = @transform_1, window_bounds = array<i64: 2048, 128>}, {transform_indices = @transform_2, window_bounds = array<i64: 1, 1, 2048>}, {pipeline_mode = #tpu.pipeline_mode<synchronous>, transform_indices = @transform_3, window_bounds = array<i64: 64, 128>}, {pipeline_mode = #tpu.pipeline_mode<synchronous>, transform_indices = @transform_4, window_bounds = array<i64: 64, 128>}, {pipeline_mode = #tpu.pipeline_mode<synchronous>, transform_indices = @transform_5, window_bounds = array<i64: 64, 128>}, {pipeline_mode = #tpu.pipeline_mode<synchronous>, transform_indices = @transform_6, window_bounds = array<i64: 64, 128>}]} {
    %eq3A = arith.constant 0 : i32
    %eq3A_0 = arith.cmpi eq, %arg0, %eq3A : i32
    %convert_element_type3A = arith.extui %eq3A_0 : i1 to i32
    %cond3A = arith.constant 0 : i32
    %cond3A_1 = arith.cmpi ne, %convert_element_type3A, %cond3A : i32
    scf.if %cond3A_1 {
      %broadcast_in_dim3A_56 = arith.constant 0.000000e+00 : f32
      %broadcast_in_dim3A_57 = vector.broadcast %broadcast_in_dim3A_56 : f32 to vector<64x128xf32>
      %swap3A_58 = arith.constant 0 : index
      %swap3A_59 = arith.constant 0 : index
      %swap3A_60 = vector.load %arg4[%swap3A_58, %swap3A_59] : memref<64x128xf32, #tpu.memory_space<vmem>>, vector<64x128xf32>
      tpu.vector_store %arg4[%swap3A_58, %swap3A_59], %broadcast_in_dim3A_57 {strides = array<i32>} : memref<64x128xf32, #tpu.memory_space<vmem>>, vector<64x128xf32>,
      %broadcast_in_dim3A_61 = arith.constant 0.000000e+00 : f32
      %broadcast_in_dim3A_62 = vector.broadcast %broadcast_in_dim3A_61 : f32 to vector<64x128xf32>
      %swap3A_63 = arith.constant 0 : index
      %swap3A_64 = arith.constant 0 : index
      %swap3A_65 = vector.load %arg5[%swap3A_63, %swap3A_64] : memref<64x128xf32, #tpu.memory_space<vmem>>, vector<64x128xf32>
      tpu.vector_store %arg5[%swap3A_63, %swap3A_64], %broadcast_in_dim3A_62 {strides = array<i32>} : memref<64x128xf32, #tpu.memory_space<vmem>>, vector<64x128xf32>,
      %broadcast_in_dim3A_66 = arith.constant 0.000000e+00 : f32
      %broadcast_in_dim3A_67 = vector.broadcast %broadcast_in_dim3A_66 : f32 to vector<64x128xf32>
      %swap3A_68 = arith.constant 0 : index
      %swap3A_69 = arith.constant 0 : index
      %swap3A_70 = vector.load %arg6[%swap3A_68, %swap3A_69] : memref<64x128xf32, #tpu.memory_space<vmem>>, vector<64x128xf32>
      tpu.vector_store %arg6[%swap3A_68, %swap3A_69], %broadcast_in_dim3A_67 {strides = array<i32>} : memref<64x128xf32, #tpu.memory_space<vmem>>, vector<64x128xf32>,
      %broadcast_in_dim3A_71 = arith.constant 0.000000e+00 : f32
      %broadcast_in_dim3A_72 = vector.broadcast %broadcast_in_dim3A_71 : f32 to vector<64x128xf32>
      %swap3A_73 = arith.constant 0 : index
      %swap3A_74 = arith.constant 0 : index
      %swap3A_75 = vector.load %arg7[%swap3A_73, %swap3A_74] : memref<64x128xf32, #tpu.memory_space<vmem>>, vector<64x128xf32>
      tpu.vector_store %arg7[%swap3A_73, %swap3A_74], %broadcast_in_dim3A_72 {strides = array<i32>} : memref<64x128xf32, #tpu.memory_space<vmem>>, vector<64x128xf32>,
    } else {
    }
    %get3A = arith.constant 0 : index
    %get3A_2 = arith.constant 0 : index
    %get3A_3 = vector.load %arg1[%get3A, %get3A_2] : memref<64x2048xf32, #tpu.memory_space<vmem>>, vector<64x2048xf32>
    %get3A_4 = arith.constant 0 : index
    %get3A_5 = arith.constant 0 : index
    %get3A_6 = vector.load %arg2[%get3A_4, %get3A_5] : memref<2048x128xf32, #tpu.memory_space<vmem>>, vector<2048x128xf32>
    %get3A_7 = arith.constant 0 : index
    %get3A_8 = arith.constant 0 : index
    %get3A_9 = arith.constant 0 : index
    %get3A_10 = vector.load %arg3[%get3A_7, %get3A_8, %get3A_9] : memref<1x1x2048xi32, #tpu.memory_space<vmem>>, vector<1x1x2048xi32>
    %get3A_11 = vector.shape_cast %get3A_10 : vector<1x1x2048xi32> to vector<2048xi32>
    %get3A_12 = arith.constant 0 : index
    %get3A_13 = arith.constant 0 : index
    %get3A_14 = vector.load %arg4[%get3A_12, %get3A_13] : memref<64x128xf32, #tpu.memory_space<vmem>>, vector<64x128xf32>
    %dot_general3A = arith.constant dense<0.000000e+00> : vector<64x128xf32>
    %dot_general3A_15 = tpu.matmul %get3A_3, %get3A_6, %dot_general3A {dimension_numbers = #tpu.dot_dimension_numbers<[1], [0], [0], [1], [0, 0, 1, 1], [], []>, precision = #tpu.contract_precision<fp32>, transpose_lhs_hint = false} : vector<64x2048xf32>, vector<2048x128xf32>, vector<64x128xf32> -> vector<64x128xf32>
    %add3A = arith.addf %get3A_14, %dot_general3A_15 : vector<64x128xf32>
    %swap3A = arith.constant 0 : index
    %swap3A_16 = arith.constant 0 : index
    %swap3A_17 = vector.load %arg4[%swap3A, %swap3A_16] : memref<64x128xf32, #tpu.memory_space<vmem>>, vector<64x128xf32>
    tpu.vector_store %arg4[%swap3A, %swap3A_16], %add3A {strides = array<i32>} : memref<64x128xf32, #tpu.memory_space<vmem>>, vector<64x128xf32>,
    %get3A_18 = arith.constant 0 : index
    %get3A_19 = arith.constant 0 : index
    %get3A_20 = vector.load %arg7[%get3A_18, %get3A_19] : memref<64x128xf32, #tpu.memory_space<vmem>>, vector<64x128xf32>
    %reduce_sum3A = arith.constant dense<0.000000e+00> : vector<64xf32>
    %reduce_sum3A_21 = vector.multi_reduction <add>, %get3A_3, %reduce_sum3A [1] : vector<64x2048xf32> to vector<64xf32>
    %broadcast_in_dim3A = vector.shape_cast %reduce_sum3A_21 : vector<64xf32> to vector<64x1xf32>
    %add3A_22 = vector.broadcast %broadcast_in_dim3A : vector<64x1xf32> to vector<64x128xf32>
    %add3A_23 = arith.addf %get3A_20, %add3A_22 : vector<64x128xf32>
    %swap3A_24 = arith.constant 0 : index
    %swap3A_25 = arith.constant 0 : index
    %swap3A_26 = vector.load %arg7[%swap3A_24, %swap3A_25] : memref<64x128xf32, #tpu.memory_space<vmem>>, vector<64x128xf32>
    tpu.vector_store %arg7[%swap3A_24, %swap3A_25], %add3A_23 {strides = array<i32>} : memref<64x128xf32, #tpu.memory_space<vmem>>, vector<64x128xf32>,
    %iota3A = tpu.iota {dimensions = array<i32: 0>} : vector<64x2048xi32>
    %broadcast_in_dim3A_27 = vector.shape_cast %get3A_11 : vector<2048xi32> to vector<1x2048xi32>
    %eq3A_28 = vector.broadcast %broadcast_in_dim3A_27 : vector<1x2048xi32> to vector<64x2048xi32>
    %eq3A_29 = arith.cmpi eq, %iota3A, %eq3A_28 : vector<64x2048xi32>
    %convert_element_type3A_30 = arith.extui %eq3A_29 : vector<64x2048xi1> to vector<64x2048xi32>
    %convert_element_type3A_31 = arith.sitofp %convert_element_type3A_30 : vector<64x2048xi32> to vector<64x2048xf32>
    %get3A_32 = arith.constant 0 : index
    %get3A_33 = arith.constant 0 : index
    %get3A_34 = vector.load %arg5[%get3A_32, %get3A_33] : memref<64x128xf32, #tpu.memory_space<vmem>>, vector<64x128xf32>
    %dot_general3A_35 = arith.constant dense<0.000000e+00> : vector<64x128xf32>
    %dot_general3A_36 = tpu.matmul %convert_element_type3A_31, %get3A_6, %dot_general3A_35 {dimension_numbers = #tpu.dot_dimension_numbers<[1], [0], [0], [1], [0, 0, 1, 1], [], []>, precision = #tpu.contract_precision<fp32>, transpose_lhs_hint = false} : vector<64x2048xf32>, vector<2048x128xf32>, vector<64x128xf32> -> vector<64x128xf32>
    %add3A_37 = arith.addf %get3A_34, %dot_general3A_36 : vector<64x128xf32>
    %swap3A_38 = arith.constant 0 : index
    %swap3A_39 = arith.constant 0 : index
    %swap3A_40 = vector.load %arg5[%swap3A_38, %swap3A_39] : memref<64x128xf32, #tpu.memory_space<vmem>>, vector<64x128xf32>
    tpu.vector_store %arg5[%swap3A_38, %swap3A_39], %add3A_37 {strides = array<i32>} : memref<64x128xf32, #tpu.memory_space<vmem>>, vector<64x128xf32>,
    %broadcast_in_dim3A_41 = vector.shape_cast %get3A_11 : vector<2048xi32> to vector<1x2048xi32>
    %gt3A = vector.broadcast %broadcast_in_dim3A_41 : vector<1x2048xi32> to vector<64x2048xi32>
    %gt3A_42 = arith.cmpi sgt, %iota3A, %gt3A : vector<64x2048xi32>
    %convert_element_type3A_43 = arith.extui %gt3A_42 : vector<64x2048xi1> to vector<64x2048xi32>
    %convert_element_type3A_44 = arith.sitofp %convert_element_type3A_43 : vector<64x2048xi32> to vector<64x2048xf32>
    %get3A_45 = arith.constant 0 : index
    %get3A_46 = arith.constant 0 : index
    %get3A_47 = vector.load %arg6[%get3A_45, %get3A_46] : memref<64x128xf32, #tpu.memory_space<vmem>>, vector<64x128xf32>
    %reduce_sum3A_48 = arith.constant dense<0.000000e+00> : vector<64xf32>
    %reduce_sum3A_49 = vector.multi_reduction <add>, %convert_element_type3A_44, %reduce_sum3A_48 [1] : vector<64x2048xf32> to vector<64xf32>
    %broadcast_in_dim3A_50 = vector.shape_cast %reduce_sum3A_49 : vector<64xf32> to vector<64x1xf32>
    %add3A_51 = vector.broadcast %broadcast_in_dim3A_50 : vector<64x1xf32> to vector<64x128xf32>
    %add3A_52 = arith.addf %get3A_47, %add3A_51 : vector<64x128xf32>
    %swap3A_53 = arith.constant 0 : index
    %swap3A_54 = arith.constant 0 : index
    %swap3A_55 = vector.load %arg6[%swap3A_53, %swap3A_54] : memref<64x128xf32, #tpu.memory_space<vmem>>, vector<64x128xf32>
    tpu.vector_store %arg6[%swap3A_53, %swap3A_54], %add3A_52 {strides = array<i32>} : memref<64x128xf32, #tpu.memory_space<vmem>>, vector<64x128xf32>,
    return
  }
  func.func @transform_0(%arg0: i32) -> (i32, i32) {
    %c0_i32 = arith.constant 0 : i32
    %c0_i32_0 = arith.constant 0 : i32
    return %c0_i32, %arg0 : i32, i32
  }
  func.func @transform_1(%arg0: i32) -> (i32, i32) {
    %c0_i32 = arith.constant 0 : i32
    %c0_i32_0 = arith.constant 0 : i32
    return %arg0, %c0_i32 : i32, i32
  }
  func.func @transform_2(%arg0: i32) -> (i32, i32, i32) {
    %c0_i32 = arith.constant 0 : i32
    %c0_i32_0 = arith.constant 0 : i32
    %c0_i32_1 = arith.constant 0 : i32
    return %arg0, %c0_i32, %c0_i32_0 : i32, i32, i32
  }
  func.func @transform_3(%arg0: i32) -> (i32, i32) {
    %c0_i32 = arith.constant 0 : i32
    %c0_i32_0 = arith.constant 0 : i32
    %c0_i32_1 = arith.constant 0 : i32
    return %c0_i32, %c0_i32_0 : i32, i32
  }
  func.func @transform_4(%arg0: i32) -> (i32, i32) {
    %c0_i32 = arith.constant 0 : i32
    %c0_i32_0 = arith.constant 0 : i32
    %c0_i32_1 = arith.constant 0 : i32
    return %c0_i32, %c0_i32_0 : i32, i32
  }
  func.func @transform_5(%arg0: i32) -> (i32, i32) {
    %c0_i32 = arith.constant 0 : i32
    %c0_i32_0 = arith.constant 0 : i32
    %c0_i32_1 = arith.constant 0 : i32
    return %c0_i32, %c0_i32_0 : i32, i32
  }
  func.func @transform_6(%arg0: i32) -> (i32, i32) {
    %c0_i32 = arith.constant 0 : i32
    %c0_i32_0 = arith.constant 0 : i32
    %c0_i32_1 = arith.constant 0 : i32
    return %c0_i32, %c0_i32_0 : i32, i32
  }
}

module attributes {stable_mosaic.version = 14 : i64} {
  func.func @_tc_head_body(%arg0: memref<64x128xf32, #tpu.memory_space<vmem>>, %arg1: memref<64x128xf32, #tpu.memory_space<vmem>>, %arg2: memref<64x16xf32, #tpu.memory_space<vmem>>, %arg3: memref<64x128xf32, #tpu.memory_space<vmem>>, %arg4: memref<144x256xf32, #tpu.memory_space<vmem>>, %arg5: memref<1x256xf32, #tpu.memory_space<vmem>>, %arg6: memref<256x256xf32, #tpu.memory_space<vmem>>, %arg7: memref<1x256xf32, #tpu.memory_space<vmem>>, %arg8: memref<256x256xf32, #tpu.memory_space<vmem>>, %arg9: memref<1x256xf32, #tpu.memory_space<vmem>>, %arg10: memref<384x256xf32, #tpu.memory_space<vmem>>, %arg11: memref<1x256xf32, #tpu.memory_space<vmem>>, %arg12: memref<256x256xf32, #tpu.memory_space<vmem>>, %arg13: memref<1x256xf32, #tpu.memory_space<vmem>>, %arg14: memref<256x128xf32, #tpu.memory_space<vmem>>, %arg15: memref<1x128xf32, #tpu.memory_space<vmem>>, %arg16: memref<64x128xf32, #tpu.memory_space<vmem>>) attributes {dimension_semantics = [], scalar_prefetch = 0 : i64, scratch_operands = 0 : i64, tpu.core_type = #tpu.core_type<tc>} {
    %get3A = arith.constant 0 : index
    %get3A_0 = arith.constant 0 : index
    %get3A_1 = vector.load %arg6[%get3A, %get3A_0] : memref<256x256xf32, #tpu.memory_space<vmem>>, vector<256x256xf32>
    %get3A_2 = arith.constant 0 : index
    %get3A_3 = arith.constant 0 : index
    %get3A_4 = vector.load %arg8[%get3A_2, %get3A_3] : memref<256x256xf32, #tpu.memory_space<vmem>>, vector<256x256xf32>
    %dot_general3A = arith.constant dense<0.000000e+00> : vector<256x256xf32>
    %dot_general3A_5 = tpu.matmul %get3A_1, %get3A_4, %dot_general3A {dimension_numbers = #tpu.dot_dimension_numbers<[1], [0], [0], [1], [0, 0, 1, 1], [], []>, precision = #tpu.contract_precision<fp32>, transpose_lhs_hint = false} : vector<256x256xf32>, vector<256x256xf32>, vector<256x256xf32> -> vector<256x256xf32>
    %get3A_6 = arith.constant 0 : index
    %get3A_7 = arith.constant 0 : index
    %get3A_8 = vector.load %arg4[%get3A_6, %get3A_7] : memref<144x256xf32, #tpu.memory_space<vmem>>, vector<144x256xf32>
    %dot_general3A_9 = arith.constant dense<0.000000e+00> : vector<144x256xf32>
    %dot_general3A_10 = tpu.matmul %get3A_8, %dot_general3A_5, %dot_general3A_9 {dimension_numbers = #tpu.dot_dimension_numbers<[1], [0], [0], [1], [0, 0, 1, 1], [], []>, precision = #tpu.contract_precision<fp32>, transpose_lhs_hint = false} : vector<144x256xf32>, vector<256x256xf32>, vector<144x256xf32> -> vector<144x256xf32>
    %get3A_11 = arith.constant 0 : index
    %get3A_12 = arith.constant 0 : index
    %get3A_13 = vector.load %arg5[%get3A_11, %get3A_12] : memref<1x256xf32, #tpu.memory_space<vmem>>, vector<1x256xf32>
    %dot_general3A_14 = arith.constant dense<0.000000e+00> : vector<1x256xf32>
    %dot_general3A_15 = tpu.matmul %get3A_13, %dot_general3A_5, %dot_general3A_14 {dimension_numbers = #tpu.dot_dimension_numbers<[1], [0], [0], [1], [0, 0, 1, 1], [], []>, precision = #tpu.contract_precision<fp32>, transpose_lhs_hint = false} : vector<1x256xf32>, vector<256x256xf32>, vector<1x256xf32> -> vector<1x256xf32>
    %get3A_16 = arith.constant 0 : index
    %get3A_17 = arith.constant 0 : index
    %get3A_18 = vector.load %arg7[%get3A_16, %get3A_17] : memref<1x256xf32, #tpu.memory_space<vmem>>, vector<1x256xf32>
    %get3A_19 = arith.constant 0 : index
    %get3A_20 = arith.constant 0 : index
    %get3A_21 = vector.load %arg8[%get3A_19, %get3A_20] : memref<256x256xf32, #tpu.memory_space<vmem>>, vector<256x256xf32>
    %dot_general3A_22 = arith.constant dense<0.000000e+00> : vector<1x256xf32>
    %dot_general3A_23 = tpu.matmul %get3A_18, %get3A_21, %dot_general3A_22 {dimension_numbers = #tpu.dot_dimension_numbers<[1], [0], [0], [1], [0, 0, 1, 1], [], []>, precision = #tpu.contract_precision<fp32>, transpose_lhs_hint = false} : vector<1x256xf32>, vector<256x256xf32>, vector<1x256xf32> -> vector<1x256xf32>
    %add3A = arith.addf %dot_general3A_15, %dot_general3A_23 : vector<1x256xf32>
    %get3A_24 = arith.constant 0 : index
    %get3A_25 = arith.constant 0 : index
    %get3A_26 = vector.load %arg9[%get3A_24, %get3A_25] : memref<1x256xf32, #tpu.memory_space<vmem>>, vector<1x256xf32>
    %add3A_27 = arith.addf %add3A, %get3A_26 : vector<1x256xf32>
    %get3A_28 = arith.constant 0 : index
    %get3A_29 = arith.constant 0 : index
    %get3A_30 = vector.load %arg3[%get3A_28, %get3A_29] : memref<64x128xf32, #tpu.memory_space<vmem>>, vector<64x128xf32>
    %reduce_max3A = arith.constant dense<0xFF800000> : vector<64xf32>
    %reduce_max3A_31 = vector.multi_reduction <maximumf>, %get3A_30, %reduce_max3A [1] : vector<64x128xf32> to vector<64xf32>
    %broadcast_in_dim3A = vector.shape_cast %reduce_max3A_31 : vector<64xf32> to vector<64x1xf32>
    %get3A_32 = arith.constant 0 : index
    %get3A_33 = arith.constant 0 : index
    %get3A_34 = vector.load %arg0[%get3A_32, %get3A_33] : memref<64x128xf32, #tpu.memory_space<vmem>>, vector<64x128xf32>
    %slice3A = vector.extract_strided_slice %dot_general3A_10 {offsets = [0, 0], sizes = [128, 256], strides = [1, 1]} : vector<144x256xf32> to vector<128x256xf32>
    %dot_general3A_35 = arith.constant dense<0.000000e+00> : vector<64x256xf32>
    %dot_general3A_36 = tpu.matmul %get3A_34, %slice3A, %dot_general3A_35 {dimension_numbers = #tpu.dot_dimension_numbers<[1], [0], [0], [1], [0, 0, 1, 1], [], []>, precision = #tpu.contract_precision<fp32>, transpose_lhs_hint = false} : vector<64x128xf32>, vector<128x256xf32>, vector<64x256xf32> -> vector<64x256xf32>
    %get3A_37 = arith.constant 0 : index
    %get3A_38 = arith.constant 0 : index
    %get3A_39 = vector.load %arg2[%get3A_37, %get3A_38] : memref<64x16xf32, #tpu.memory_space<vmem>>, vector<64x16xf32>
    %slice3A_40 = vector.extract_strided_slice %dot_general3A_10 {offsets = [128, 0], sizes = [16, 256], strides = [1, 1]} : vector<144x256xf32> to vector<16x256xf32>
    %dot_general3A_41 = arith.constant dense<0.000000e+00> : vector<64x256xf32>
    %dot_general3A_42 = tpu.matmul %get3A_39, %slice3A_40, %dot_general3A_41 {dimension_numbers = #tpu.dot_dimension_numbers<[1], [0], [0], [1], [0, 0, 1, 1], [], []>, precision = #tpu.contract_precision<fp32>, transpose_lhs_hint = false} : vector<64x16xf32>, vector<16x256xf32>, vector<64x256xf32> -> vector<64x256xf32>
    %add3A_43 = arith.addf %dot_general3A_36, %dot_general3A_42 : vector<64x256xf32>
    %mul3A = vector.broadcast %broadcast_in_dim3A : vector<64x1xf32> to vector<64x256xf32>
    %mul3A_44 = vector.broadcast %add3A_27 : vector<1x256xf32> to vector<64x256xf32>
    %mul3A_45 = arith.mulf %mul3A, %mul3A_44 : vector<64x256xf32>
    %add3A_46 = arith.addf %add3A_43, %mul3A_45 : vector<64x256xf32>
    %get3A_47 = arith.constant 0 : index
    %get3A_48 = arith.constant 0 : index
    %get3A_49 = vector.load %arg1[%get3A_47, %get3A_48] : memref<64x128xf32, #tpu.memory_space<vmem>>, vector<64x128xf32>
    %concatenate3A = tpu.concatenate %get3A_49, %add3A_46 in 1 : vector<64x128xf32>, vector<64x256xf32> -> vector<64x384xf32>
    %get3A_50 = arith.constant 0 : index
    %get3A_51 = arith.constant 0 : index
    %get3A_52 = vector.load %arg10[%get3A_50, %get3A_51] : memref<384x256xf32, #tpu.memory_space<vmem>>, vector<384x256xf32>
    %dot_general3A_53 = arith.constant dense<0.000000e+00> : vector<64x256xf32>
    %dot_general3A_54 = tpu.matmul %concatenate3A, %get3A_52, %dot_general3A_53 {dimension_numbers = #tpu.dot_dimension_numbers<[1], [0], [0], [1], [0, 0, 1, 1], [], []>, precision = #tpu.contract_precision<fp32>, transpose_lhs_hint = false} : vector<64x384xf32>, vector<384x256xf32>, vector<64x256xf32> -> vector<64x256xf32>
    %get3A_55 = arith.constant 0 : index
    %get3A_56 = arith.constant 0 : index
    %get3A_57 = vector.load %arg11[%get3A_55, %get3A_56] : memref<1x256xf32, #tpu.memory_space<vmem>>, vector<1x256xf32>
    %add3A_58 = vector.broadcast %get3A_57 : vector<1x256xf32> to vector<64x256xf32>
    %add3A_59 = arith.addf %dot_general3A_54, %add3A_58 : vector<64x256xf32>
    %get3A_60 = arith.constant 0 : index
    %get3A_61 = arith.constant 0 : index
    %get3A_62 = vector.load %arg12[%get3A_60, %get3A_61] : memref<256x256xf32, #tpu.memory_space<vmem>>, vector<256x256xf32>
    %dot_general3A_63 = arith.constant dense<0.000000e+00> : vector<64x256xf32>
    %dot_general3A_64 = tpu.matmul %add3A_59, %get3A_62, %dot_general3A_63 {dimension_numbers = #tpu.dot_dimension_numbers<[1], [0], [0], [1], [0, 0, 1, 1], [], []>, precision = #tpu.contract_precision<fp32>, transpose_lhs_hint = false} : vector<64x256xf32>, vector<256x256xf32>, vector<64x256xf32> -> vector<64x256xf32>
    %get3A_65 = arith.constant 0 : index
    %get3A_66 = arith.constant 0 : index
    %get3A_67 = vector.load %arg13[%get3A_65, %get3A_66] : memref<1x256xf32, #tpu.memory_space<vmem>>, vector<1x256xf32>
    %add3A_68 = vector.broadcast %get3A_67 : vector<1x256xf32> to vector<64x256xf32>
    %add3A_69 = arith.addf %dot_general3A_64, %add3A_68 : vector<64x256xf32>
    %get3A_70 = arith.constant 0 : index
    %get3A_71 = arith.constant 0 : index
    %get3A_72 = vector.load %arg14[%get3A_70, %get3A_71] : memref<256x128xf32, #tpu.memory_space<vmem>>, vector<256x128xf32>
    %dot_general3A_73 = arith.constant dense<0.000000e+00> : vector<64x128xf32>
    %dot_general3A_74 = tpu.matmul %add3A_69, %get3A_72, %dot_general3A_73 {dimension_numbers = #tpu.dot_dimension_numbers<[1], [0], [0], [1], [0, 0, 1, 1], [], []>, precision = #tpu.contract_precision<fp32>, transpose_lhs_hint = false} : vector<64x256xf32>, vector<256x128xf32>, vector<64x128xf32> -> vector<64x128xf32>
    %get3A_75 = arith.constant 0 : index
    %get3A_76 = arith.constant 0 : index
    %get3A_77 = vector.load %arg15[%get3A_75, %get3A_76] : memref<1x128xf32, #tpu.memory_space<vmem>>, vector<1x128xf32>
    %add3A_78 = vector.broadcast %get3A_77 : vector<1x128xf32> to vector<64x128xf32>
    %add3A_79 = arith.addf %dot_general3A_74, %add3A_78 : vector<64x128xf32>
    %swap3A = arith.constant 0 : index
    %swap3A_80 = arith.constant 0 : index
    %swap3A_81 = vector.load %arg16[%swap3A, %swap3A_80] : memref<64x128xf32, #tpu.memory_space<vmem>>, vector<64x128xf32>
    tpu.vector_store %arg16[%swap3A, %swap3A_80], %add3A_79 {strides = array<i32>} : memref<64x128xf32, #tpu.memory_space<vmem>>, vector<64x128xf32>,
    return
  }
}

</mosaic_0001>

<sc_bundles>
// kernel: kernel.6.cloned.1.call-start
scs
__scs_entry_jumppad:
0x0: {  	(pc) =	sbr.rel $0x88, $3  }
0x1: {  	(tag) =	ssettag $0x0;
	lr =	simm.s32 $0x1  }
0x2: {  	[smem:$0x3F91] =	sst lr;
	_ =	strace $0xD0000000  }
0x3: {  	_ = 	snop  }
0x4: {  	_ = 	snop  }
0x5: {  	_ = 	snop  }
0x6: {  	_ = 	snop  }
0x7: {  	_ = 	snop  }
__scs_overlays_trampoline_lowered:
0x8: {  	[smem:$0x3FA0] =	sst s0  }
0x9: {  	[smem:$0x3FA1] =	sst s1  }
0xa: {  	[smem:$0x3FA2] =	sst s2  }
0xb: {  	[smem:$0x3FA3] =	sst s3  }
0xc: {  	[smem:$0x3FA4] =	sst s4  }
0xd: {  	[smem:$0x3FA5] =	sst s5  }
0xe: {  	[smem:$0x3FA6] =	sst s6  }
0xf: {  	[smem:$0x3FA7] =	sst s7  }
0x10: {  	[smem:$0x3FA8] =	sst s8  }
0x11: {  	[smem:$0x3FA9] =	sst s9;
	s0 =	simm.s32 @!p0 $0x0  }
0x12: {  	s1 =	sld [smem:$0x3F8F];
	s0 =	simm.s32 @p0 $0x1  }
0x13: {  	[smem:$0x3FAA] =	sst s0;
	s0 =	simm.s32 @!p1 $0x0  }
0x14: {  	s2 =	sld [smem:$0x3F8E];
	s0 =	simm.s32 @p1 $0x1  }
0x15: {  	[smem:$0x3FAB] =	sst s0;
	s0 =	simm.s32 @!p2 $0x0  }
0x16: {  	s3 =	sld [smem:$0x3FDB];
	s0 =	simm.s32 @p2 $0x1  }
0x17: {  	s4 =	simm.s32 $0x1BF5;
	[smem:$0x3FAD] =	sst s0  }
0x18: {  	s0 =	sld [smem:$0x3F90];
	_ =	swait.ge [sflag:s4], $0x0  }
0x19: {  	s7 =	sld [smem:$0x3F91]  }
0x1a: {  	s8 =	sadd.s32 $0xFFFFE003, lr  }
0x1b: {  	s9 =	sadd.s32 $0xFFFFFEF7, lr;
	s5 =	simm.s32 $0xFFFFFFFF;
	p2 =	slt.u32 s8, $0xFFFFF086  }
0x1c: {  	p1 =	slt.u32 s9, $0xF7A;
	s5 =	simm.s32 @!p2 $0x0  }
0x1d: {  	s5 =	simm.s32 @p1 $0x1;
	p0 =	seq.s32 s7, s2  }
0x1e: {  	s7 =	smul.u32 @!p0 $0xF7A, s2;
	p2 =	seq.s32 @!p0 s5, $0x0  }
0x1f: {  	s9 =	smul.u32 $0xF7A, s1;
	s8 =	simm.s32 @!p0 $0x1BF5;
	p2 =	por !p2, p0  }
0x20: {  	[sflag:s8] =	ssyncset.s32 @!p0 $0xFFFFF086;
	s6 =	sadd.s32 @!p0 s3, s7;
	s7 =	simm.s32 @!p0 $0x108  }
0x21: {  	s3 =	sadd.s32 s3, s9;
	s6 =	sadd.s32 @!p0 $0x88, s6;
	s7 =	simm.s32 @p2 $0x1082  }
0x22: {  	[simem:s7], [sflag:s8] =	dma.local @!p0 [hbm:s6], $0xF7A  }
0x23: {  	s9 =	sor.u32 $0xD0000000, s2;
	s6 =	simm.s32 $0x108;
	_ =	swait.ge @!p0 [sflag:s8], $0x0  }
0x24: {  	s3 =	sadd.s32 $0x88, s3;
	s6 =	simm.s32 @!p1 $0x1082;
	[sflag:s4] =	ssyncset.s32 $0xFFFFF086  }
0x25: {  	[simem:s6], [sflag:s4] =	dma.local [hbm:s3], $0xF7A  }
0x26: {  	[smem:$0x3F91] =	sst s1;
	(tag) =	ssettag s2;
	_ =	strace s9  }
0x27: {  	s1 =	sld [smem:$0x3FA1]  }
0x28: {  	s2 =	sld [smem:$0x3FA2]  }
0x29: {  	s4 =	sld [smem:$0x3FA4]  }
0x2a: {  	p0 =	seq.s32 s5, $0x0;
	s5 =	sld [smem:$0x3FA5]  }
0x2b: {  	s6 =	sld [smem:$0x3FA6]  }
0x2c: {  	s7 =	sld [smem:$0x3FA7]  }
0x2d: {  	s3 =	simm.s32 $0x108;
	s8 =	sld [smem:$0x3FA8]  }
0x2e: {  	s3 =	simm.s32 @!p0 $0x1082;
	s9 =	sld [smem:$0x3FA9]  }
0x2f: {  	lr =	sadd.s32 s0, s3;
	s0 =	sld [smem:$0x3FA0]  }
0x30: {  	s3 =	sld [smem:$0x3FA3]  }
0x31: {  	[smem:$0x3FAC] =	sst s10  }
0x32: {  	s10 =	sld [smem:$0x3FAA];
	_ =	sdelay $0x3  }
0x33: {  	p0 =	seq.s32 s10, $0x1;
	s10 =	sld [smem:$0x3FAC];
	_ =	sdelay $0x3  }
0x34: {  	[smem:$0x3FAC] =	sst s10  }
0x35: {  	s10 =	sld [smem:$0x3FAB];
	_ =	sdelay $0x3  }
0x36: {  	p1 =	seq.s32 s10, $0x1;
	s10 =	sld [smem:$0x3FAC];
	_ =	sdelay $0x3  }
0x37: {  	[smem:$0x3FAC] =	sst s10  }
0x38: {  	s10 =	sld [smem:$0x3FAD]  }
0x39: {  	_ = 	snop;
	(pc) =	sbr.ind lr, $3  }
0x3a: {  	_ = 	snop  }
0x3b: {  	_ = 	snop  }
0x3c: {  	p2 =	seq.s32 s10, $0x1;
	s10 =	sld [smem:$0x3FAC]  }
0x3d: {  	_ =	shalt  }
0x3e: {  	_ =	shalt  }
0x3f: {  	_ =	shalt  }
0x40: {  	_ =	shalt  }
0x41: {  	_ =	shalt  }
0x42: {  	_ =	shalt  }
0x43: {  	_ =	shalt  }
0x44: {  	_ =	shalt  }
0x45: {  	_ =	shalt  }
0x46: {  	_ =	shalt  }
0x47: {  	_ =	shalt  }
0x48: {  	_ =	shalt  }
0x49: {  	_ =	shalt  }
0x4a: {  	_ =	shalt  }
0x4b: {  	_ =	shalt  }
0x4c: {  	_ =	shalt  }
0x4d: {  	_ =	shalt  }
0x4e: {  	_ =	shalt  }
0x4f: {  	_ =	shalt  }
0x50: {  	_ =	shalt  }
0x51: {  	_ =	shalt  }
0x52: {  	_ =	shalt  }
0x53: {  	_ =	shalt  }
0x54: {  	_ =	shalt  }
0x55: {  	_ =	shalt  }
0x56: {  	_ =	shalt  }
0x57: {  	_ =	shalt  }
0x58: {  	_ =	shalt  }
0x59: {  	_ =	shalt  }
0x5a: {  	_ =	shalt  }
0x5b: {  	_ =	shalt  }
0x5c: {  	_ =	shalt  }
0x5d: {  	_ =	shalt  }
0x5e: {  	_ =	shalt  }
0x5f: {  	_ =	shalt  }
0x60: {  	_ =	shalt  }
0x61: {  	_ =	shalt  }
0x62: {  	_ =	shalt  }
0x63: {  	_ =	shalt  }
0x64: {  	_ =	shalt  }
0x65: {  	_ =	shalt  }
0x66: {  	_ =	shalt  }
0x67: {  	_ =	shalt  }
0x68: {  	_ =	shalt  }
0x69: {  	_ =	shalt  }
0x6a: {  	_ =	shalt  }
0x6b: {  	_ =	shalt  }
0x6c: {  	_ =	shalt  }
0x6d: {  	_ =	shalt  }
0x6e: {  	_ =	shalt  }
0x6f: {  	_ =	shalt  }
0x70: {  	_ =	shalt  }
0x71: {  	_ =	shalt  }
0x72: {  	_ =	shalt  }
0x73: {  	_ =	shalt  }
0x74: {  	_ =	shalt  }
0x75: {  	_ =	shalt  }
0x76: {  	_ =	shalt  }
0x77: {  	_ =	shalt  }
0x78: {  	_ =	shalt  }
0x79: {  	_ =	shalt  }
0x7a: {  	_ =	shalt  }
0x7b: {  	_ =	shalt  }
0x7c: {  	_ =	shalt  }
0x7d: {  	_ =	shalt  }
0x7e: {  	_ =	shalt  }
0x7f: {  	_ =	shalt  }
0x80: {  	_ =	shalt  }
0x81: {  	_ =	shalt  }
0x82: {  	_ =	shalt  }
0x83: {  	_ =	shalt  }
0x84: {  	_ =	shalt  }
0x85: {  	_ =	shalt  }
0x86: {  	_ =	shalt  }
0x87: {  	_ =	shalt  }
.Lfunc_end0:
.L_simem_size_0:
called_computation_lowered:
.L_overlay_start_0:
0x88: {  	s2 =	sld [smem:$0x3FD9]  }
0x89: {  	s3 =	sld [smem:$0x3FFE];
	_ =	sdelay $0x1  }
0x8a: {  	s1 =	srdreg.scid  }
0x8b: {  	s0 =	sand.u32 $0x1, s1  }
0x8c: {  	s17 =	sshll.u32 s0, $0xA;
	s2 =	sadd.s32 s3, s2  }
0x8d: {  	s2 =	sadd.s32 s2, s17  }
0x8e: {  	[smem:$0x3FB8] =	sst s2  }
0x8f: {  	_ = 	snop  }
0x90: {  	s2 =	sld [smem:$0x3FC6];
	(tm) =	ssettm $0x1  }
0x91: {  	s18 =	sld [smem:$0x3FFB];
	_ =	sdelay $0x3  }
0x92: {  	_ =	strace s18  }
0x93: {  	s3 =	sld [smem:$0x3FFC];
	_ =	sdelay $0x3  }
0x94: {  	_ =	strace s3  }
0x95: {  	s3 =	sld [smem:$0x3FFD];
	_ =	sdelay $0x3  }
0x96: {  	_ =	strace s3  }
0x97: {  	_ =	strace $0x8FFFFFFF  }
0x98: {  	s19 =	sld [smem:$0x3FDB];
	_ =	sdelay $0x1  }
0x99: {  	s4 =	simm.s32 $_scs_section_size  }
0x9a: {  	s5 =	simm.s32 $_size__tile_overlayer_lowered;
	s6 =	simm.s32 $_tile_overlayer_lowered  }
0x9b: {  	s22 =	simm.s32 $0x1BFF;
	s21 =	sshll.u32 s6, $0x1;
	s3 =	sadd.s32 s4, s19  }
0x9c: {  	s7 =	simm.s32 $0x0;
	s20 =	sshll.u32 s5, $0x1;
	s5 =	sadd.s32 s21, s3  }
0x9d: {  	[timem:s7], [sflag:s22] =	dma.local [hbm:s5], s20  }
0x9e: {  	_ =	swait.ge [sflag:s22], s20  }
0x9f: {  	s4 =	ssub.s32 $0x0, s20;
	[sflag:s22] =	ssyncset.done $0x0  }
0xa0: {  	[sflag:s22] =	ssyncadd.s32 s4;
	_ =	sdelay $0x1  }
0xa1: {  	s23 =	simm.s32 $0x1B8B  }
0xa2: {  	_ =	swait.ge [sflag:s23], $0x1  }
0xa3: {  	[sflag:s23] =	ssyncset.done $0x0  }
0xa4: {  	s25 =	simm.s32 $0x1B8E;
	s24 =	sld [smem:$0x3FFE];
	[sflag:s23] =	ssyncadd.s32 $0xFFFFFFFF  }
0xa5: {  	s26 =	simm.s32 $execute0_lowered;
	[smem:$0x3FD2] =	sst s25  }
0xa6: {  	s5 =	sshll.u32 s26, $0x1;
	_ =	strace $0x80000046;
	[dreg:$0x1] =	wrdreg $0xFFFFFFFF  }
0xa7: {  	s28 =	simm.s32 $_size_execute0_lowered;
	s3 =	sadd.s32 s3, s5;
	[dreg:$0x0] =	wrdreg $0x0  }
0xa8: {  	s5 =	sshll.u32 s28, $0x1;
	[dreg:$0x2] =	wrdreg s3  }
0xa9: {  	[dreg:$0x3] =	wrdreg s5  }
0xaa: {  	[dreg:$0x4] =	wrdreg $0xC0  }
0xab: {  	_ =	task [dreg:s7], $0x5FFFF  }
0xac: {  	[dreg:$0x1] =	wrdreg $0xFFFFFFFF  }
0xad: {  	[dreg:$0x0] =	wrdreg $0x60  }
0xae: {  	[dreg:$0x2] =	wrdreg s24  }
0xaf: {  	[dreg:$0x3] =	wrdreg s2  }
0xb0: {  	[dreg:$0x4] =	wrdreg $0x9  }
0xb1: {  	_ =	task.clear_ibuf [dreg:s7], $0x5FFFF;
	_ =	strace $0x90000046  }
0xb2: {  	s29 =	simm.s32 $0x9;
	_ =	strace $0x80000048  }
0xb3: {  	_ =	swait.ge [sflag:s29], $0x1  }
0xb4: {  	[sflag:s29] =	ssyncadd.s32 $0xFFFFFFFF  }
0xb5: {  	_ =	strace $0x90000048  }
0xb6: {  	_ =	sfence  }
0xb7: {  	s30 =	sld [smem:$0x0];
	_ =	sdelay $0x2  }
0xb8: {  	s31 =	sshll.u32 s1, $0xD;
	s1 =	sshrl.u32 s1, $0x2  }
0xb9: {  	s3 =	sand.u32 $0x4000, s31;
	s1 =	sadd.s32 s1, s30  }
0xba: {  	s0 =	sor.u32 s3, s0;
	s1 =	sshll.u32 s1, $0x11  }
0xbb: {  	s0 =	sor.u32 s1, s0  }
0xbc: {  	s0 =	sadd.s32 $0x8F2B, s0  }
0xbd: {  	[sflag:s0] =	ssyncadd.remote.s32 $0x1  }
0xbe: {  	_ =	sfence.sel $0xFFFF  }
0xbf: {  	[dreg:$0x0] =	wrdreg $0xFFFFFFFF;
	(pc) =	sbr.abs _section_cstart, $3  }
0xc0: {  	[dreg:$0x1] =	wrdreg $0xFFFFFFFF  }
0xc1: {  	_ =	task.clear_ibuf [dreg:s7], $0x2FFFF;
	_ =	strace $0x9FFFFFFF  }
0xc2: {  	(tm) =	ssettm $0x7FFFFFFF  }
0xc3: {  	_ =	shalt  }
tec
execute0_lowered:
.L_overlay_start_1:
0x0: {  	(tag) =	ssettag $0x1  }
0x1: {  	s1 =	srdreg.scid  }
0x2: {  	s0 =	stileid.u32;
	s5 =	rddreg [dreg:$0x0]  }
0x3: {  	s2 =	rddreg [dreg:$0x1];
	s3 =	simm.s32 $0x0;
	s9 =	simm.s32 $0x3  }
0x4: {  	s10 =	simm.s32 $0x7780;
	s11 =	simm.s32 $0x9080;
	s12 =	simm.s32 $0xA980  }
0x5: {  	s13 =	simm.s32 $0xC280;
	s14 =	simm.s32 $0x1;
	s15 =	simm.s32 $0x2  }
0x6: {  	s17 =	simm.s32 $0x400;
	s4 =	sand.u32 $0x1, s1;
	s29 =	sshll.u32 s0, $0x1  }
0x7: {  	s18 =	simm.s32 $0x0;
	s30 =	sshrl.u32 s0, $0x1;
	s16 =	sor.u32 s4, s29  }
0x8: {  	[smem:$0x7FF] =	sst s3;
	s6 =	smul.u32 $0x14000, s30;
	s7 =	sshll.u32 s16, $0x8  }
0x9: {  	s1 =	rddreg [dreg:$0x2];
	_ =	strace $0x80000047;
	s7 =	sand.u32 $0x300, s7  }
0xa: {  	s31 =	ssub.s32 $0x2, s4;
	s4 =	sadd.s32 $0xC400, s5;
	s6 =	sor.u32 s6, s7  }
0xb: {  	s8 =	sshrl.u32 s31, $0x1;
	v0 =	vmov s16;
	s16 =	simm.s32 $0x100;
	s6 =	sshrl.u32 s6, $0x3  }
0xc: {  	s7 =	ssub.s32 s31, s8;
	s8 =	simm.s32 $0x5000;
	s6 =	sadd.s32 s6, s5  }
0xd: {  	v1 =	vimm.f32 $0.0e+00;
	v2 =	vimm.f32 $1.000000000e+00;
	s7 =	smax.u32 s7, $0x1;
	s5 =	sadd.s32 $0x2600, s5;
	s6 =	sadd.s32 $0x16200, s6  }
.LBB2_1:
0xe: {  	s19 =	simm.s32 $0x80  }
0xf: {  	[tilespmem:s19+$0xFFFFFF80] =	vst v1  }
0x10: {  	[tilespmem:s19+$0x70] =	vst v1  }
0x11: {  	[tilespmem:s19+$0xFFFFFFF0] =	vst v1  }
0x12: {  	[tilespmem:s19+$0x60] =	vst v1  }
0x13: {  	[tilespmem:s19+$0xFFFFFFE0] =	vst v1  }
0x14: {  	[tilespmem:s19+$0x50] =	vst v1  }
0x15: {  	[tilespmem:s19+$0xFFFFFFD0] =	vst v1  }
0x16: {  	[tilespmem:s19+$0x40] =	vst v1  }
0x17: {  	[tilespmem:s19+$0xFFFFFFC0] =	vst v1  }
0x18: {  	[tilespmem:s19+$0x30] =	vst v1  }
0x19: {  	[tilespmem:s19+$0xFFFFFFB0] =	vst v1  }
0x1a: {  	[tilespmem:s19+$0x20] =	vst v1  }
0x1b: {  	[tilespmem:s19+$0xFFFFFFA0] =	vst v1  }
0x1c: {  	[tilespmem:s19+$0x10] =	vst v1  }
0x1d: {  	s20 =	simm.s32 $0x0;
	[tilespmem:s19+$0xFFFFFF90] =	vst v1  }
.LBB2_2:
0x1e: {  	s20 =	sadd.s32 $0x8, s20;
	[tilespmem:s19+$0x0] =	vst v1;
	s19 =	sadd.s32 $0x100, s19  }
0x1f: {  	[tilespmem:s19+$0xFFFFFF80] =	vst v1;
	p0 =	slt.u32 s20, $0x278  }
0x20: {  	[tilespmem:s19+$0x70] =	vst v1  }
0x21: {  	[tilespmem:s19+$0xFFFFFFF0] =	vst v1  }
0x22: {  	[tilespmem:s19+$0x60] =	vst v1  }
0x23: {  	[tilespmem:s19+$0xFFFFFFE0] =	vst v1  }
0x24: {  	[tilespmem:s19+$0x50] =	vst v1  }
0x25: {  	[tilespmem:s19+$0xFFFFFFD0] =	vst v1  }
0x26: {  	[tilespmem:s19+$0x40] =	vst v1  }
0x27: {  	[tilespmem:s19+$0xFFFFFFC0] =	vst v1  }
0x28: {  	[tilespmem:s19+$0x30] =	vst v1  }
.Ltmp0:
0x29: {  	[tilespmem:s19+$0xFFFFFFB0] =	vst v1;
	(pc) =	sbr.rel @p0 .LBB2_2-.Ltmp0, $4  }
0x2a: {  	[tilespmem:s19+$0x20] =	vst v1  }
0x2b: {  	[tilespmem:s19+$0xFFFFFFA0] =	vst v1  }
0x2c: {  	[tilespmem:s19+$0x10] =	vst v1  }
0x2d: {  	[tilespmem:s19+$0xFFFFFF90] =	vst v1  }
0x2e: {  	[tilespmem:s19+$0x0] =	vst v1;
	s19 =	simm.s32 $0x0  }
0x2f: {  	[tilespmem:s8], [sflag:$0x3] =	stream.linear.gather [hbm4b:s2+s19], $0x2780, $0x38;
	[tilespmem:$0xDB80] =	vst v63  }
0x30: {  	_ =	swait.ge [sflag:s9], $0x2780  }
0x31: {  	[sflag:s9] =	ssyncset.done $0x0  }
0x32: {  	[sflag:s9] =	ssyncadd.s32 $0xFFFFD880  }
0x33: {  	[tilespmem:s10], [sflag:$0x1] =	stream.linear.gather [hbm4b:s4+s19], $0x1900, $0x38;
	[tilespmem:$0xDB80] =	vst v63  }
0x34: {  	_ = 	snop  }
0x35: {  	[tilespmem:s11], [sflag:$0x1] =	stream.linear.gather [hbm4b:s5+s19], $0x1900, $0x38;
	[tilespmem:$0xDB80] =	vst v63  }
.LBB2_4:
0x36: {  	s20 =	smul.u32 $0x3200, s19;
	_ =	sdelay $0x1  }
0x37: {  	s21 =	sshrl.u32 s20, $0x3  }
0x38: {  	s21 =	sadd.s32 $0x320, s21  }
0x39: {  	s22 =	sadd.s32 s4, s21  }
0x3a: {  	[tilespmem:s12], [sflag:$0x2] =	stream.linear.gather [hbm4b:s22+s3], $0x1900, $0x38;
	[tilespmem:$0xDB80] =	vst v63  }
0x3b: {  	s21 =	sadd.s32 s5, s21  }
0x3c: {  	[tilespmem:s13], [sflag:$0x2] =	stream.linear.gather [hbm4b:s21+s3], $0x1900, $0x38;
	[tilespmem:$0xDB80] =	vst v63  }
0x3d: {  	_ =	swait.ge [sflag:s14], $0x1900  }
0x3e: {  	[sflag:s14] =	ssyncset.done $0x0  }
0x3f: {  	[sflag:s14] =	ssyncadd.s32 $0xFFFFE700  }
0x40: {  	_ =	swait.ge [sflag:s14], $0x1900  }
0x41: {  	[sflag:s14] =	ssyncset.done $0x0  }
0x42: {  	s31 =	simm.s32 $0x90C0;
	[sflag:s14] =	ssyncadd.s32 $0xFFFFE700  }
0x43: {  	v3 =	vld [tilespmem:s31+$0x30]  }
0x44: {  	v4 =	vld [tilespmem:s31+$0xFFFFFFD0]  }
0x45: {  	v5 =	vld [tilespmem:s31+$0xFFFFFFE0]  }
0x46: {  	s21 =	simm.s32 $0x77C0;
	v6 =	vld [tilespmem:s31+$0xFFFFFFF0]  }
0x47: {  	v9 =	vld [tilespmem:s21+$0x30]  }
0x48: {  	v10 =	vld [tilespmem:s31+$0xFFFFFFC0]  }
0x49: {  	v11 =	vld [tilespmem:s21+$0xFFFFFFC0]  }
0x4a: {  	v12 =	vld [tilespmem:s21+$0xFFFFFFD0]  }
0x4b: {  	v13 =	vld [tilespmem:s21+$0xFFFFFFE0]  }
0x4c: {  	v20 =	vld [tilespmem:s31+$0x20]  }
0x4d: {  	v14 =	vld [tilespmem:s21+$0xFFFFFFF0]  }
0x4e: {  	v16 =	vld [tilespmem:s21+$0x0]  }
0x4f: {  	v19 =	vld [tilespmem:s21+$0x20]  }
0x50: {  	v3 =	vld.idx.msk [tilespmem:v3+s8+$0x0], $0xffff  }
0x51: {  	v7 =	vld [tilespmem:s31+$0x0];
	v15 =	vand.u32 $0x7F, v9;
	v9 =	vshll.u32 v9, $0x1  }
0x52: {  	v18 =	vld [tilespmem:s21+$0x10];
	v21 =	vand.u32 $0x7F, v11;
	v25 =	vand.u32 $0x7F, v12;
	v9 =	vand.u32 $0xFFFFFF00, v9  }
0x53: {  	v27 =	vand.u32 $0x7F, v13;
	v9 =	vor.u32 v15, v9;
	v15 =	vshll.u32 v11, $0x1;
	v22 =	vld.idx.msk [tilespmem:v6+s8+$0x0], $0xffff  }
0x54: {  	v29 =	vand.u32 $0x7F, v14;
	v30 =	vand.u32 $0x7F, v16;
	v15 =	vand.u32 $0xFFFFFF00, v15;
	v31 =	vld.idx.msk [tilespmem:v20+s8+$0x0], $0xffff  }
0x55: {  	v8 =	vld [tilespmem:s31+$0x10];
	v6 =	vand.u32 $0x7F, v19;
	v17 =	vshrl.u32 v3, $0x1;
	v3 =	vshll.u32 v3, $0x7  }
0x56: {  	vm0 =	veq.s32 v17, v0;
	v3 =	vand.u32 $0x80, v3;
	v17 =	vshll.u32 v12, $0x1;
	v12 =	vld.idx.msk [tilespmem:v5+s8+$0x0], $0xffff  }
0x57: {  	v5 =	vand.u32 $0x7F, v18;
	v23 =	vor.u32 v3, v9;
	v17 =	vand.u32 $0xFFFFFF00, v17;
	v9 =	vld.idx.msk [tilespmem:v10+s8+$0x0], $0xffff  }
0x58: {  	v3 =	vshll.u32 v13, $0x1;
	v10 =	vld.idx.msk [tilespmem:v4+s8+$0x0], $0xffff;
	v4 =	vshll.u32 v19, $0x1;
	v13 =	vshrl.u32 v22, $0x1  }
0x59: {  	v19 =	vshrl.u32 v31, $0x1;
	v24 =	vand.u32 $0xFFFFFF00, v3;
	v3 =	vshll.u32 v14, $0x1  }
0x5a: {  	v4 =	vand.u32 $0xFFFFFF00, v4;
	v14 =	vshll.u32 v22, $0x7;
	v22 =	vor.u32 v21, v15  }
0x5b: {  	v20 =	vor.u32 v25, v17;
	v26 =	vand.u32 $0xFFFFFF00, v3;
	v3 =	vshll.u32 v16, $0x1  }
0x5c: {  	v16 =	vld.idx.msk [tilespmem:v7+s8+$0x0], $0xffff;
	v14 =	vand.u32 $0x80, v14;
	v21 =	vor.u32 v27, v24;
	v27 =	vshll.u32 v31, $0x7  }
0x5d: {  	v28 =	vand.u32 $0xFFFFFF00, v3;
	v3 =	vshll.u32 v18, $0x1;
	v18 =	vld.idx.msk [tilespmem:v8+s8+$0x0], $0xffff;
	v25 =	vor.u32 v29, v26  }
0x5e: {  	v3 =	vand.u32 $0xFFFFFF00, v3;
	v7 =	vshrl.u32 v9, $0x1;
	v9 =	vshll.u32 v9, $0x7  }
0x5f: {  	v8 =	vand.u32 $0x80, v9;
	v9 =	vshrl.u32 v10, $0x1;
	v10 =	vshll.u32 v10, $0x7  }
0x60: {  	v24 =	vor.u32 v30, v28;
	v11 =	vand.u32 $0x80, v10;
	v10 =	vshrl.u32 v12, $0x1  }
0x61: {  	v12 =	vshll.u32 v12, $0x7;
	v15 =	vshrl.u32 v16, $0x1;
	v16 =	vshll.u32 v16, $0x7  }
0x62: {  	v17 =	vand.u32 $0x80, v16;
	v16 =	vshrl.u32 v18, $0x1;
	v18 =	vshll.u32 v18, $0x7  }
0x63: {  	s23 =	simm.s32 $0x9140;
	s22 =	simm.s32 $0x0;
	[tilespmem:v23+s3+$0x0] =	vst.idx.add.f32.msk vm0, v2;
	v23 =	vand.u32 $0x80, v27;
	v12 =	vand.u32 $0x80, v12;
	v18 =	vand.u32 $0x80, v18  }
.LBB2_5:
0x64: {  	v26 =	vld [tilespmem:s23+$0x30];
	s22 =	sadd.s32 $0x8, s22;
	vm4 =	veq.s32 v7, v0;
	v3 =	vor.u32 v5, v3;
	v4 =	vor.u32 v6, v4  }
0x65: {  	v22 =	vor.u32 v8, v22;
	vm6 =	veq.s32 v9, v0;
	v20 =	vor.u32 v11, v20;
	v5 =	vld [tilespmem:s23+$0xFFFFFFD0];
	p0 =	slt.u32 s22, $0x188  }
0x66: {  	vm5 =	veq.s32 v10, v0;
	v21 =	vor.u32 v12, v21;
	vm3 =	veq.s32 v13, v0;
	v6 =	vld [tilespmem:s23+$0xFFFFFFE0]  }
0x67: {  	v25 =	vor.u32 v14, v25;
	vm2 =	veq.s32 v15, v0;
	v24 =	vor.u32 v17, v24;
	v7 =	vld [tilespmem:s23+$0xFFFFFFF0]  }
0x68: {  	vm1 =	veq.s32 v16, v0;
	vm0 =	veq.s32 v19, v0;
	v27 =	vor.u32 v18, v3;
	v8 =	vld [tilespmem:s23+$0x0]  }
0x69: {  	v28 =	vor.u32 v23, v4;
	v9 =	vld [tilespmem:s23+$0x10]  }
0x6a: {  	s21 =	sadd.s32 $0x80, s21;
	v10 =	vld [tilespmem:s23+$0x20]  }
0x6b: {  	v3 =	vld [tilespmem:s21+$0x30]  }
0x6c: {  	v4 =	vld.idx.msk [tilespmem:v26+s8+$0x0], $0xffff  }
0x6d: {  	v11 =	vld [tilespmem:s23+$0xFFFFFFC0]  }
0x6e: {  	v12 =	vld [tilespmem:s21+$0xFFFFFFC0]  }
0x6f: {  	v13 =	vld [tilespmem:s21+$0xFFFFFFD0]  }
0x70: {  	v14 =	vld [tilespmem:s21+$0xFFFFFFE0]  }
0x71: {  	v16 =	vand.u32 $0x7F, v3;
	v3 =	vshll.u32 v3, $0x1;
	v15 =	vld [tilespmem:s21+$0xFFFFFFF0]  }
0x72: {  	v18 =	vshrl.u32 v4, $0x1;
	v3 =	vand.u32 $0xFFFFFF00, v3;
	v4 =	vshll.u32 v4, $0x7;
	v17 =	vld [tilespmem:s21+$0x0]  }
0x73: {  	vm7 =	veq.s32 v18, v0;
	v4 =	vand.u32 $0x80, v4;
	v3 =	vor.u32 v16, v3;
	v19 =	vld [tilespmem:s21+$0x10]  }
0x74: {  	v16 =	vshll.u32 v12, $0x1;
	v4 =	vor.u32 v4, v3;
	v18 =	vshll.u32 v13, $0x1;
	v23 =	vld [tilespmem:s21+$0x20]  }
0x75: {  	v16 =	vand.u32 $0xFFFFFF00, v16;
	v11 =	vld.idx.msk [tilespmem:v11+s8+$0x0], $0xffff;
	v18 =	vand.u32 $0xFFFFFF00, v18;
	v3 =	vshll.u32 v14, $0x1  }
0x76: {  	v26 =	vand.u32 $0x7F, v12;
	v12 =	vld.idx.msk [tilespmem:v5+s8+$0x0], $0xffff;
	v29 =	vand.u32 $0xFFFFFF00, v3;
	v3 =	vshll.u32 v15, $0x1  }
0x77: {  	v30 =	vand.u32 $0x7F, v13;
	v13 =	vld.idx.msk [tilespmem:v6+s8+$0x0], $0xffff;
	v31 =	vand.u32 $0xFFFFFF00, v3;
	v3 =	vshll.u32 v17, $0x1  }
0x78: {  	v32 =	vand.u32 $0x7F, v14;
	v14 =	vld.idx.msk [tilespmem:v7+s8+$0x0], $0xffff;
	v33 =	vand.u32 $0xFFFFFF00, v3;
	v3 =	vshll.u32 v19, $0x1  }
0x79: {  	v34 =	vand.u32 $0x7F, v15;
	v3 =	vand.u32 $0xFFFFFF00, v3;
	v6 =	vshll.u32 v23, $0x1;
	[tilespmem:v4+s3+$0x0] =	vst.idx.add.f32.msk vm7, v2  }
0x7a: {  	v36 =	vand.u32 $0x7F, v17;
	v5 =	vand.u32 $0x7F, v19;
	v35 =	vld.idx.msk [tilespmem:v8+s8+$0x0], $0xffff;
	v4 =	vand.u32 $0xFFFFFF00, v6  }
0x7b: {  	v7 =	vshrl.u32 v11, $0x1;
	v8 =	vshll.u32 v11, $0x7;
	v6 =	vand.u32 $0x7F, v23;
	v19 =	vld.idx.msk [tilespmem:v9+s8+$0x0], $0xffff  }
0x7c: {  	v8 =	vand.u32 $0x80, v8;
	v9 =	vshrl.u32 v12, $0x1;
	v11 =	vshll.u32 v12, $0x7;
	v23 =	vld.idx.msk [tilespmem:v10+s8+$0x0], $0xffff  }
0x7d: {  	v11 =	vand.u32 $0x80, v11;
	v10 =	vshrl.u32 v13, $0x1;
	v12 =	vshll.u32 v13, $0x7;
	[tilespmem:v22+s3+$0x0] =	vst.idx.add.f32.msk vm4, v2  }
0x7e: {  	v12 =	vand.u32 $0x80, v12;
	v13 =	vshrl.u32 v14, $0x1;
	v14 =	vshll.u32 v14, $0x7;
	[tilespmem:v20+s3+$0x0] =	vst.idx.add.f32.msk vm6, v2  }
.Ltmp1:
0x7f: {  	v22 =	vor.u32 v26, v16;
	v20 =	vor.u32 v30, v18;
	v14 =	vand.u32 $0x80, v14;
	[tilespmem:v21+s3+$0x0] =	vst.idx.add.f32.msk vm5, v2;
	(pc) =	sbr.rel @p0 .LBB2_5-.Ltmp1, $4  }
0x80: {  	v21 =	vor.u32 v32, v29;
	v15 =	vshrl.u32 v35, $0x1;
	v16 =	vshll.u32 v35, $0x7;
	[tilespmem:v25+s3+$0x0] =	vst.idx.add.f32.msk vm3, v2  }
0x81: {  	v17 =	vand.u32 $0x80, v16;
	v16 =	vshrl.u32 v19, $0x1;
	v18 =	vshll.u32 v19, $0x7;
	[tilespmem:v24+s3+$0x0] =	vst.idx.add.f32.msk vm2, v2  }
0x82: {  	v18 =	vand.u32 $0x80, v18;
	v19 =	vshrl.u32 v23, $0x1;
	v23 =	vshll.u32 v23, $0x7;
	[tilespmem:v27+s3+$0x0] =	vst.idx.add.f32.msk vm1, v2  }
0x83: {  	s23 =	sadd.s32 $0x80, s23;
	v25 =	vor.u32 v34, v31;
	v24 =	vor.u32 v36, v33;
	v23 =	vand.u32 $0x80, v23;
	[tilespmem:v28+s3+$0x0] =	vst.idx.add.f32.msk vm0, v2  }
0x84: {  	vm0 =	veq.s32 v7, v0  }
0x85: {  	v7 =	vor.u32 v8, v22;
	vm1 =	veq.s32 v9, v0  }
0x86: {  	v8 =	vor.u32 v11, v20;
	vm2 =	veq.s32 v10, v0  }
0x87: {  	v9 =	vor.u32 v12, v21;
	vm3 =	veq.s32 v13, v0  }
0x88: {  	v3 =	vor.u32 v5, v3;
	v5 =	vor.u32 v14, v25;
	vm4 =	veq.s32 v15, v0  }
0x89: {  	v4 =	vor.u32 v6, v4;
	v6 =	vor.u32 v17, v24;
	vm5 =	veq.s32 v16, v0  }
0x8a: {  	vm6 =	veq.s32 v19, v0;
	v3 =	vor.u32 v18, v3;
	[tilespmem:v7+s3+$0x0] =	vst.idx.add.f32.msk vm0, v2  }
0x8b: {  	v4 =	vor.u32 v23, v4;
	[tilespmem:v8+s3+$0x0] =	vst.idx.add.f32.msk vm1, v2  }
0x8c: {  	[tilespmem:v9+s3+$0x0] =	vst.idx.add.f32.msk vm2, v2  }
0x8d: {  	p0 =	seq.s32 s19, $0x18;
	[tilespmem:v5+s3+$0x0] =	vst.idx.add.f32.msk vm3, v2  }
0x8e: {  	s20 =	sshrl.u32 @!p0 s20, $0x3;
	[tilespmem:v6+s3+$0x0] =	vst.idx.add.f32.msk vm4, v2  }
0x8f: {  	s20 =	sadd.s32 @!p0 $0x640, s20;
	[tilespmem:v3+s3+$0x0] =	vst.idx.add.f32.msk vm5, v2  }
0x90: {  	s22 =	simm.s32 @!p0 $0x0;
	s23 =	simm.s32 @!p0 $0x7780;
	s21 =	sadd.s32 @!p0 s4, s20;
	[tilespmem:v4+s3+$0x0] =	vst.idx.add.f32.msk vm6, v2  }
0x91: {  	[tilespmem:s23], [sflag:$0x1] =	stream.linear.gather @!p0 [hbm4b:s21+s22], $0x1900, $0x38;
	[tilespmem:$0xDB80] =	vst v63  }
0x92: {  	s20 =	sadd.s32 @!p0 s5, s20;
	s21 =	simm.s32 @!p0 $0x9080  }
0x93: {  	[tilespmem:s21], [sflag:$0x1] =	stream.linear.gather @!p0 [hbm4b:s20+s22], $0x1900, $0x38;
	[tilespmem:$0xDB80] =	vst v63  }
0x94: {  	_ =	swait.ge [sflag:s15], $0x1900  }
0x95: {  	[sflag:s15] =	ssyncset.done $0x0  }
0x96: {  	[sflag:s15] =	ssyncadd.s32 $0xFFFFE700  }
0x97: {  	_ =	swait.ge [sflag:s15], $0x1900  }
0x98: {  	[sflag:s15] =	ssyncset.done $0x0  }
0x99: {  	s31 =	simm.s32 $0xC2C0;
	[sflag:s15] =	ssyncadd.s32 $0xFFFFE700  }
0x9a: {  	v3 =	vld [tilespmem:s31+$0x30]  }
0x9b: {  	v4 =	vld [tilespmem:s31+$0xFFFFFFD0]  }
0x9c: {  	v5 =	vld [tilespmem:s31+$0xFFFFFFE0]  }
0x9d: {  	s20 =	simm.s32 $0xA9C0;
	v6 =	vld [tilespmem:s31+$0xFFFFFFF0]  }
0x9e: {  	v9 =	vld [tilespmem:s20+$0x30]  }
0x9f: {  	v10 =	vld [tilespmem:s31+$0xFFFFFFC0]  }
0xa0: {  	v11 =	vld [tilespmem:s20+$0xFFFFFFC0]  }
0xa1: {  	v12 =	vld [tilespmem:s20+$0xFFFFFFD0]  }
0xa2: {  	v13 =	vld [tilespmem:s20+$0xFFFFFFE0]  }
0xa3: {  	v20 =	vld [tilespmem:s31+$0x20]  }
0xa4: {  	v14 =	vld [tilespmem:s20+$0xFFFFFFF0]  }
0xa5: {  	v16 =	vld [tilespmem:s20+$0x0]  }
0xa6: {  	v19 =	vld [tilespmem:s20+$0x20]  }
0xa7: {  	v3 =	vld.idx.msk [tilespmem:v3+s8+$0x0], $0xffff  }
0xa8: {  	v7 =	vld [tilespmem:s31+$0x0];
	v15 =	vand.u32 $0x7F, v9;
	v9 =	vshll.u32 v9, $0x1  }
0xa9: {  	v18 =	vld [tilespmem:s20+$0x10];
	v21 =	vand.u32 $0x7F, v11;
	v25 =	vand.u32 $0x7F, v12;
	v9 =	vand.u32 $0xFFFFFF00, v9  }
0xaa: {  	v27 =	vand.u32 $0x7F, v13;
	v9 =	vor.u32 v15, v9;
	v15 =	vshll.u32 v11, $0x1;
	v22 =	vld.idx.msk [tilespmem:v6+s8+$0x0], $0xffff  }
0xab: {  	v29 =	vand.u32 $0x7F, v14;
	v30 =	vand.u32 $0x7F, v16;
	v15 =	vand.u32 $0xFFFFFF00, v15;
	v31 =	vld.idx.msk [tilespmem:v20+s8+$0x0], $0xffff  }
0xac: {  	v8 =	vld [tilespmem:s31+$0x10];
	v6 =	vand.u32 $0x7F, v19;
	v17 =	vshrl.u32 v3, $0x1;
	v3 =	vshll.u32 v3, $0x7  }
0xad: {  	vm15 =	veq.s32 v17, v0;
	v3 =	vand.u32 $0x80, v3;
	v17 =	vshll.u32 v12, $0x1;
	v12 =	vld.idx.msk [tilespmem:v5+s8+$0x0], $0xffff  }
0xae: {  	v5 =	vand.u32 $0x7F, v18;
	v23 =	vor.u32 v3, v9;
	v17 =	vand.u32 $0xFFFFFF00, v17;
	v9 =	vld.idx.msk [tilespmem:v10+s8+$0x0], $0xffff  }
0xaf: {  	v3 =	vshll.u32 v13, $0x1;
	v10 =	vld.idx.msk [tilespmem:v4+s8+$0x0], $0xffff;
	v4 =	vshll.u32 v19, $0x1;
	v13 =	vshrl.u32 v22, $0x1  }
0xb0: {  	v19 =	vshrl.u32 v31, $0x1;
	v24 =	vand.u32 $0xFFFFFF00, v3;
	v3 =	vshll.u32 v14, $0x1  }
0xb1: {  	v4 =	vand.u32 $0xFFFFFF00, v4;
	v14 =	vshll.u32 v22, $0x7;
	v22 =	vor.u32 v21, v15  }
0xb2: {  	v20 =	vor.u32 v25, v17;
	v26 =	vand.u32 $0xFFFFFF00, v3;
	v3 =	vshll.u32 v16, $0x1  }
0xb3: {  	v16 =	vld.idx.msk [tilespmem:v7+s8+$0x0], $0xffff;
	v14 =	vand.u32 $0x80, v14;
	v21 =	vor.u32 v27, v24;
	v27 =	vshll.u32 v31, $0x7  }
0xb4: {  	v28 =	vand.u32 $0xFFFFFF00, v3;
	v3 =	vshll.u32 v18, $0x1;
	v18 =	vld.idx.msk [tilespmem:v8+s8+$0x0], $0xffff;
	v25 =	vor.u32 v29, v26  }
0xb5: {  	v3 =	vand.u32 $0xFFFFFF00, v3;
	v7 =	vshrl.u32 v9, $0x1;
	v9 =	vshll.u32 v9, $0x7  }
0xb6: {  	v8 =	vand.u32 $0x80, v9;
	v9 =	vshrl.u32 v10, $0x1;
	v10 =	vshll.u32 v10, $0x7  }
0xb7: {  	v24 =	vor.u32 v30, v28;
	v11 =	vand.u32 $0x80, v10;
	v10 =	vshrl.u32 v12, $0x1  }
0xb8: {  	v12 =	vshll.u32 v12, $0x7;
	v15 =	vshrl.u32 v16, $0x1;
	v16 =	vshll.u32 v16, $0x7  }
0xb9: {  	v17 =	vand.u32 $0x80, v16;
	v16 =	vshrl.u32 v18, $0x1;
	v18 =	vshll.u32 v18, $0x7  }
0xba: {  	s21 =	simm.s32 $0x0;
	s22 =	simm.s32 $0xC340;
	[tilespmem:v23+s3+$0x0] =	vst.idx.add.f32.msk vm15, v2;
	v23 =	vand.u32 $0x80, v27;
	v12 =	vand.u32 $0x80, v12;
	v18 =	vand.u32 $0x80, v18  }
.LBB2_7:
0xbb: {  	v26 =	vld [tilespmem:s22+$0x30];
	s21 =	sadd.s32 $0x8, s21;
	vm4 =	veq.s32 v7, v0;
	v3 =	vor.u32 v5, v3;
	v4 =	vor.u32 v6, v4  }
0xbc: {  	v22 =	vor.u32 v8, v22;
	vm6 =	veq.s32 v9, v0;
	v20 =	vor.u32 v11, v20;
	v5 =	vld [tilespmem:s22+$0xFFFFFFD0];
	p0 =	slt.u32 s21, $0x188  }
0xbd: {  	vm5 =	veq.s32 v10, v0;
	v21 =	vor.u32 v12, v21;
	vm3 =	veq.s32 v13, v0;
	v6 =	vld [tilespmem:s22+$0xFFFFFFE0]  }
0xbe: {  	v25 =	vor.u32 v14, v25;
	vm2 =	veq.s32 v15, v0;
	v24 =	vor.u32 v17, v24;
	v7 =	vld [tilespmem:s22+$0xFFFFFFF0]  }
0xbf: {  	vm1 =	veq.s32 v16, v0;
	vm0 =	veq.s32 v19, v0;
	v27 =	vor.u32 v18, v3;
	v8 =	vld [tilespmem:s22+$0x0]  }
0xc0: {  	v28 =	vor.u32 v23, v4;
	v9 =	vld [tilespmem:s22+$0x10]  }
0xc1: {  	s20 =	sadd.s32 $0x80, s20;
	v10 =	vld [tilespmem:s22+$0x20]  }
0xc2: {  	v3 =	vld [tilespmem:s20+$0x30]  }
0xc3: {  	v4 =	vld.idx.msk [tilespmem:v26+s8+$0x0], $0xffff  }
0xc4: {  	v11 =	vld [tilespmem:s22+$0xFFFFFFC0]  }
0xc5: {  	v12 =	vld [tilespmem:s20+$0xFFFFFFC0]  }
0xc6: {  	v13 =	vld [tilespmem:s20+$0xFFFFFFD0]  }
0xc7: {  	v14 =	vld [tilespmem:s20+$0xFFFFFFE0]  }
0xc8: {  	v16 =	vand.u32 $0x7F, v3;
	v3 =	vshll.u32 v3, $0x1;
	v15 =	vld [tilespmem:s20+$0xFFFFFFF0]  }
0xc9: {  	v18 =	vshrl.u32 v4, $0x1;
	v3 =	vand.u32 $0xFFFFFF00, v3;
	v4 =	vshll.u32 v4, $0x7;
	v17 =	vld [tilespmem:s20+$0x0]  }
0xca: {  	vm7 =	veq.s32 v18, v0;
	v4 =	vand.u32 $0x80, v4;
	v3 =	vor.u32 v16, v3;
	v19 =	vld [tilespmem:s20+$0x10]  }
0xcb: {  	v16 =	vshll.u32 v12, $0x1;
	v4 =	vor.u32 v4, v3;
	v18 =	vshll.u32 v13, $0x1;
	v23 =	vld [tilespmem:s20+$0x20]  }
0xcc: {  	v16 =	vand.u32 $0xFFFFFF00, v16;
	v11 =	vld.idx.msk [tilespmem:v11+s8+$0x0], $0xffff;
	v18 =	vand.u32 $0xFFFFFF00, v18;
	v3 =	vshll.u32 v14, $0x1  }
0xcd: {  	v26 =	vand.u32 $0x7F, v12;
	v12 =	vld.idx.msk [tilespmem:v5+s8+$0x0], $0xffff;
	v29 =	vand.u32 $0xFFFFFF00, v3;
	v3 =	vshll.u32 v15, $0x1  }
0xce: {  	v30 =	vand.u32 $0x7F, v13;
	v13 =	vld.idx.msk [tilespmem:v6+s8+$0x0], $0xffff;
	v31 =	vand.u32 $0xFFFFFF00, v3;
	v3 =	vshll.u32 v17, $0x1  }
0xcf: {  	v32 =	vand.u32 $0x7F, v14;
	v14 =	vld.idx.msk [tilespmem:v7+s8+$0x0], $0xffff;
	v33 =	vand.u32 $0xFFFFFF00, v3;
	v3 =	vshll.u32 v19, $0x1  }
0xd0: {  	v34 =	vand.u32 $0x7F, v15;
	v3 =	vand.u32 $0xFFFFFF00, v3;
	v6 =	vshll.u32 v23, $0x1;
	[tilespmem:v4+s3+$0x0] =	vst.idx.add.f32.msk vm7, v2  }
0xd1: {  	v36 =	vand.u32 $0x7F, v17;
	v5 =	vand.u32 $0x7F, v19;
	v35 =	vld.idx.msk [tilespmem:v8+s8+$0x0], $0xffff;
	v4 =	vand.u32 $0xFFFFFF00, v6  }
0xd2: {  	v7 =	vshrl.u32 v11, $0x1;
	v8 =	vshll.u32 v11, $0x7;
	v6 =	vand.u32 $0x7F, v23;
	v19 =	vld.idx.msk [tilespmem:v9+s8+$0x0], $0xffff  }
0xd3: {  	v8 =	vand.u32 $0x80, v8;
	v9 =	vshrl.u32 v12, $0x1;
	v11 =	vshll.u32 v12, $0x7;
	v23 =	vld.idx.msk [tilespmem:v10+s8+$0x0], $0xffff  }
0xd4: {  	v11 =	vand.u32 $0x80, v11;
	v10 =	vshrl.u32 v13, $0x1;
	v12 =	vshll.u32 v13, $0x7;
	[tilespmem:v22+s3+$0x0] =	vst.idx.add.f32.msk vm4, v2  }
0xd5: {  	v12 =	vand.u32 $0x80, v12;
	v13 =	vshrl.u32 v14, $0x1;
	v14 =	vshll.u32 v14, $0x7;
	[tilespmem:v20+s3+$0x0] =	vst.idx.add.f32.msk vm6, v2  }
.Ltmp2:
0xd6: {  	v22 =	vor.u32 v26, v16;
	v20 =	vor.u32 v30, v18;
	v14 =	vand.u32 $0x80, v14;
	[tilespmem:v21+s3+$0x0] =	vst.idx.add.f32.msk vm5, v2;
	(pc) =	sbr.rel @p0 .LBB2_7-.Ltmp2, $4  }
0xd7: {  	v21 =	vor.u32 v32, v29;
	v15 =	vshrl.u32 v35, $0x1;
	v16 =	vshll.u32 v35, $0x7;
	[tilespmem:v25+s3+$0x0] =	vst.idx.add.f32.msk vm3, v2  }
0xd8: {  	v17 =	vand.u32 $0x80, v16;
	v16 =	vshrl.u32 v19, $0x1;
	v18 =	vshll.u32 v19, $0x7;
	[tilespmem:v24+s3+$0x0] =	vst.idx.add.f32.msk vm2, v2  }
0xd9: {  	v18 =	vand.u32 $0x80, v18;
	v19 =	vshrl.u32 v23, $0x1;
	v23 =	vshll.u32 v23, $0x7;
	[tilespmem:v27+s3+$0x0] =	vst.idx.add.f32.msk vm1, v2  }
0xda: {  	s22 =	sadd.s32 $0x80, s22;
	v25 =	vor.u32 v34, v31;
	v24 =	vor.u32 v36, v33;
	v23 =	vand.u32 $0x80, v23;
	[tilespmem:v28+s3+$0x0] =	vst.idx.add.f32.msk vm0, v2  }
0xdb: {  	vm0 =	veq.s32 v7, v0  }
0xdc: {  	v59 =	vor.u32 v8, v22;
	vm1 =	veq.s32 v9, v0  }
0xdd: {  	v60 =	vor.u32 v11, v20;
	vm2 =	veq.s32 v10, v0  }
0xde: {  	v61 =	vor.u32 v12, v21;
	vm3 =	veq.s32 v13, v0  }
0xdf: {  	v3 =	vor.u32 v5, v3;
	v62 =	vor.u32 v14, v25;
	vm4 =	veq.s32 v15, v0  }
0xe0: {  	v4 =	vor.u32 v6, v4;
	v63 =	vor.u32 v17, v24;
	vm5 =	veq.s32 v16, v0  }
0xe1: {  	vm6 =	veq.s32 v19, v0;
	s19 =	sadd.s32 $0x1, s19;
	v3 =	vor.u32 v18, v3;
	[tilespmem:v59+s3+$0x0] =	vst.idx.add.f32.msk vm0, v2  }
0xe2: {  	v4 =	vor.u32 v23, v4;
	p0 =	sne.s32 s19, $0x19;
	[tilespmem:v60+s3+$0x0] =	vst.idx.add.f32.msk vm1, v2  }
.Ltmp3:
0xe3: {  	[tilespmem:v61+s3+$0x0] =	vst.idx.add.f32.msk vm2, v2;
	(pc) =	sbr.rel @p0 .LBB2_4-.Ltmp3, $4  }
0xe4: {  	[tilespmem:v62+s3+$0x0] =	vst.idx.add.f32.msk vm3, v2  }
0xe5: {  	[tilespmem:v63+s3+$0x0] =	vst.idx.add.f32.msk vm4, v2  }
0xe6: {  	[tilespmem:v3+s3+$0x0] =	vst.idx.add.f32.msk vm5, v2  }
0xe7: {  	[tilespmem:v4+s3+$0x0] =	vst.idx.add.f32.msk vm6, v2  }
0xe8: {  	s18 =	sadd.s32 $0x1, s18  }
0xe9: {  	p0 =	sne.s32 s18, s7  }
.Ltmp4:
0xea: {  	_ = 	snop;
	(pc) =	sbr.rel @p0 .LBB2_1-.Ltmp4, $4  }
0xeb: {  	[hbm4b:s6+s16] =	stream.strided.scatter [tilespmem:s3], [sflag:$0x3], $0x5000, s17, s16, $0x38;
	[tilespmem:$0xDB80] =	vst v63  }
0xec: {  	_ =	swait.ge [sflag:s9], $0x5000  }
0xed: {  	[sflag:s9] =	ssyncset.done $0x0  }
0xee: {  	[sflag:s9] =	ssyncadd.s32 $0xFFFFB000  }
0xef: {  	_ =	sfence.sel $0x180000  }
0xf0: {  	[bflag:$0x0] =	sbarrier.arrive $0xFFFF  }
0xf1: {  	p0 =	sne.s32 s0, $0x0;
	_ =	strace $0x90000047  }
0xf2: {  	s0 =	sadd.s32 @!p0 $0x100000, s1;
	[bflag:$0x2] =	sbarrier.arrive $0xFFFF  }
0xf3: {  	[sflag:s0] =	ssyncadd.tile.s32 @!p0 $0x1;
	_ =	shalt  }
.Lfunc_end2:
_tile_overlayer_lowered:
.L_overlay_start_2:
0xf4: {  	(tag) =	ssettag $0x2  }
0xf5: {  	s0 =	rddreg [dreg:$0x0];
	s2 =	stileid.u32  }
0xf6: {  	s1 =	rddreg [dreg:$0x1];
	p0 =	sne.s32 s2, $0x0  }
0xf7: {  	s3 =	rddreg [dreg:$0x2];
	[bflag:$0x3] =	sbarrier.arrive $0xFFFF;
	s2 =	simm.s32 @!p0 $0x1C03  }
0xf8: {  	[timem:s3], [sflag:s2] =	dma.local @!p0 [hbm:s0], s1  }
0xf9: {  	s0 =	simm.s32 @!p0 $0x3  }
0xfa: {  	_ =	swait.ge @!p0 [sflag:s0], s1  }
0xfb: {  	s1 =	ssub.s32 @!p0 $0x0, s1;
	[sflag:s0] =	ssyncset.done @!p0 $0x0  }
0xfc: {  	[sflag:s0] =	ssyncadd.s32 @!p0 s1  }
0xfd: {  	[bflag:$0x3] =	sbarrier.arrive $0xFFFF  }
0xfe: {  	_ =	shalt  }

</sc_bundles>
